<compile_context>
chip_gen: v7x
topology: tpu7x:2x2x1
jax: 0.10.2.dev20260603
libtpu: 0.0.44.dev20260713+nightly
codegen_flags: <defaults>
</compile_context>

<pallas_src>
import functools

import jax
import jax.numpy as jnp
from jax import lax
from jax.experimental import pallas as pl
from jax.experimental.pallas import tpu as pltpu
from jax.experimental.pallas import tpu_sc as plsc

B, S, D_LLM, D_VIT, K, TOPK = 4, 2048, 2048, 1024, 512, 128
TS = 256

_NC, _NS = 2, 16
_NW = _NC * _NS
_RPW = (B * TOPK) // _NW


def _route_kernel(lq_ref, vq_ref, kl_ref, kv_ref, a_ref, asel_ref, idx_ref):
    k_ratio = float(D_VIT) / float(D_LLM)
    score = lax.dot_general(lq_ref[...], kl_ref[...], (((1,), (1,)), ((), ())),
                            preferred_element_type=jnp.float32)
    score = score + k_ratio * lax.dot_general(
        vq_ref[...], kv_ref[...], (((1,), (1,)), ((), ())),
        preferred_element_type=jnp.float32)

    u = lax.bitcast_convert_type(score, jnp.int32)
    key = u ^ ((u >> 31) & jnp.int32(0x7FFFFFFF))

    def count_ge(m):
        return jnp.sum((key >= m).astype(jnp.int32), axis=1, keepdims=True)

    int_min = jnp.full((B, 1), -2147483648, jnp.int32)
    zero = jnp.zeros((B, 1), jnp.int32)
    t = jnp.where(count_ge(zero) >= TOPK, zero, int_min)
    for bit in range(30, -1, -1):
        cand = t | jnp.int32(1 << bit)
        t = jnp.where(count_ge(cand) >= TOPK, cand, t)

    gt = key > t
    eq = key == t
    need = (TOPK - jnp.sum(gt.astype(jnp.int32), axis=1, keepdims=True)
            ).astype(jnp.float32)
    rows = lax.broadcasted_iota(jnp.int32, (K, K), 0)
    cols = lax.broadcasted_iota(jnp.int32, (K, K), 1)
    tri = (rows <= cols).astype(jnp.float32)
    ecs = jnp.dot(eq.astype(jnp.float32), tri,
                  preferred_element_type=jnp.float32)
    mask = jnp.logical_or(gt, jnp.logical_and(eq, ecs <= need))

    mf = mask.astype(jnp.float32)
    pos = jnp.dot(mf, tri, preferred_element_type=jnp.float32)
    eye = (rows == cols).astype(jnp.float32)
    mf_col = lax.dot_general(eye, mf, (((1,), (1,)), ((), ())),
                             preferred_element_type=jnp.float32)
    pos_col = lax.dot_general(eye, pos, (((1,), (1,)), ((), ())),
                              preferred_element_type=jnp.float32)
    jj = lax.broadcasted_iota(jnp.int32, (K, TOPK), 1)
    kk = lax.broadcasted_iota(jnp.int32, (K, TOPK), 0)
    for b in range(B):
        slot_b = (pos_col[:, b:b + 1] - 1.0).astype(jnp.int32)
        sel_b = (slot_b == jj) & (mf_col[:, b:b + 1] > 0.5)
        p_b = jnp.where(sel_b, 1.0, 0.0)
        asel_ref[b] = jnp.dot(a_ref[...], p_b,
                              preferred_element_type=jnp.float32)
        idx_ref[b] = jnp.sum(jnp.where(sel_b, kk, 0), axis=0, keepdims=True)


def _sc_gather_body(tbl_hbm, idx_hbm, out_hbm, idx_v, rows_v, sem):
    wid = lax.axis_index("s") * _NC + lax.axis_index("c")
    base = wid * _RPW
    pltpu.sync_copy(idx_hbm.at[pl.ds(base, _RPW)], idx_v)
    pltpu.async_copy(tbl_hbm.at[idx_v], rows_v, sem).wait()
    pltpu.sync_copy(rows_v, out_hbm.at[pl.ds(base, _RPW)])


def _make_sc_gather():
    return pl.kernel(
        _sc_gather_body,
        out_type=jax.ShapeDtypeStruct((B * TOPK, D_LLM), jnp.float32),
        mesh=plsc.VectorSubcoreMesh(core_axis_name="c", subcore_axis_name="s",
                                    num_cores=_NC, num_subcores=_NS),
        scratch_types=[
            pltpu.VMEM((_RPW,), jnp.int32),
            pltpu.VMEM((_RPW, D_LLM), jnp.float32),
            pltpu.SemaphoreType.DMA,
        ],
    )


def _apply_kernel(x_ref, a_ref, b_ref, out_ref):
    xb = x_ref[0]
    t = jnp.dot(xb, a_ref[0], preferred_element_type=jnp.float32)
    out_ref[0] = xb + jnp.dot(t, b_ref[0], preferred_element_type=jnp.float32)


@jax.jit
def kernel(x, llm_query, vit_query, static_keys_llm, static_keys_vit,
           rank_A_pool, rank_B_pool):
    a_sel, idx = pl.pallas_call(
        _route_kernel,
        out_shape=[
            jax.ShapeDtypeStruct((B, D_LLM, TOPK), jnp.float32),
            jax.ShapeDtypeStruct((B, 1, TOPK), jnp.int32),
        ],
    )(llm_query, vit_query, static_keys_llm, static_keys_vit, rank_A_pool)

    b_sel = _make_sc_gather()(rank_B_pool, idx.reshape(B * TOPK))
    b_sel = b_sel.reshape(B, TOPK, D_LLM)

    out = pl.pallas_call(
        _apply_kernel,
        grid=(B, S // TS),
        in_specs=[
            pl.BlockSpec((1, TS, D_LLM), lambda b, s: (b, s, 0)),
            pl.BlockSpec((1, D_LLM, TOPK), lambda b, s: (b, 0, 0)),
            pl.BlockSpec((1, TOPK, D_LLM), lambda b, s: (b, 0, 0)),
        ],
        out_specs=pl.BlockSpec((1, TS, D_LLM), lambda b, s: (b, s, 0)),
        out_shape=jax.ShapeDtypeStruct((B, S, D_LLM), jnp.float32),
    )(x, a_sel, b_sel)
    return out

# --- scband reference (transcript-rebuilt; emitter-appended) ---
"""Pipeline reference for scband-lrp-model-44083544326819 (READ-ONLY COPY).

The authoritative reference and input builder live on the scoring server;
editing this copy changes nothing except your own understanding.
"""

import jax, jax.numpy as jnp
import numpy as np

B, S, D_LLM, D_VIT, K, TOPK = 4, 2048, 2048, 1024, 512, 128

def setup_inputs(seed: int = 0) -> dict:
    key = jax.random.key(seed)
    ks = jax.random.split(key, 7)
    x = jax.random.normal(ks[0], (B, S, D_LLM), dtype=jnp.float32)
    llm_query = jax.random.normal(ks[1], (B, D_LLM), dtype=jnp.float32)
    vit_query = jax.random.normal(ks[2], (B, D_VIT), dtype=jnp.float32)
    static_keys_llm = jax.random.normal(ks[3], (K, D_LLM), dtype=jnp.float32) * 0.02
    static_keys_vit = jax.random.normal(ks[4], (K, D_VIT), dtype=jnp.float32) * 0.02
    rank_A_pool = jax.random.normal(ks[5], (D_LLM, K), dtype=jnp.float32) * 0.02
    rank_B_pool = jax.random.normal(ks[6], (K, D_LLM), dtype=jnp.float32) * 0.02
    return {"x": x, "llm_query": llm_query, "vit_query": vit_query,
            "static_keys_llm": static_keys_llm, "static_keys_vit": static_keys_vit,
            "rank_A_pool": rank_A_pool, "rank_B_pool": rank_B_pool}

def reference(x, llm_query, vit_query, static_keys_llm, static_keys_vit, rank_A_pool, rank_B_pool):
    # LRP key-based routing: score = q_llm . K_llm + (d_vit/d_llm) * q_vit . K_vit  (see init_value)
    k_ratio = float(D_VIT) / float(D_LLM)
    score_llm = llm_query @ static_keys_llm.T          # [B, K]
    score_vit = vit_query @ static_keys_vit.T          # [B, K]
    score = score_llm + k_ratio * score_vit            # [B, K]
    _, top_idx = jax.lax.top_k(score, TOPK)            # [B, TOPK] -- select rank entries per sample
    def per_sample(xb, idx):
        A_sel = jnp.take(rank_A_pool, idx, axis=1)     # [D_LLM, TOPK]  (static_rank_A_pool[:, indices])
        B_sel = jnp.take(rank_B_pool, idx, axis=0)     # [TOPK, D_LLM] (static_rank_B_pool[indices])
        return (xb @ A_sel) @ B_sel                    # low-rank LRP delta
    delta = jax.vmap(per_sample)(x, top_idx)           # [B, S, D_LLM]
    return x + delta

if __name__ == "__main__":
    import jax
    _d = setup_inputs()
    print(jax.jit(kernel)(*tuple(_d.values())))

</pallas_src>

<mosaic_0001>
#map = affine_map<(d0, d1) -> (0, 0)>
#map1 = affine_map<(d0, d1) -> (0)>
module attributes {stable_mosaic.version = 14 : i64} {
  func.func @_sc_gather_body(%arg0: i32, %arg1: i32, %arg2: memref<512x2048xf32, #tpu.memory_space<hbm>>, %arg3: memref<512xi32, #tpu.memory_space<hbm>>, %arg4: memref<512x2048xf32, #tpu.memory_space<hbm>>, %arg5: memref<16xi32, #tpu.memory_space<vmem>>, %arg6: memref<16x2048xf32, #tpu.memory_space<vmem>>, %arg7: memref<!tpu.dma_semaphore, #tpu.memory_space<semaphore_mem>>) attributes {dimension_semantics = [#tpu.dimension_semantics<core_parallel>, #tpu.dimension_semantics<subcore_parallel>], iteration_bounds = array<i64: 2, 16>, scalar_prefetch = 0 : i64, scratch_operands = 3 : i64, tpu.core_type = #tpu.core_type<sc_vector_subcore>, window_params = [{transform_indices = #map}, {transform_indices = #map1}, {transform_indices = #map}]} {
    %mul3A = arith.constant 2 : i32
    %mul3A_0 = arith.muli %arg1, %mul3A : i32
    %add3A = arith.addi %mul3A_0, %arg0 : i32
    %mul3A_1 = arith.constant 16 : i32
    %mul3A_2 = arith.muli %add3A, %mul3A_1 : i32
    "tpu.region"() ({
      %run_scoped3A = tpu.sem_alloc : memref<!tpu.dma_semaphore, #tpu.memory_space<semaphore_mem>>
      %dma_start3A_7 = tpu.memref_slice %arg3[%mul3A_2] : memref<512xi32, #tpu.memory_space<hbm>> -> memref<16xi32, #tpu.memory_space<hbm>>
      %dma_start3A_8 = tpu.memref_slice %arg3[%mul3A_2] : memref<512xi32, #tpu.memory_space<hbm>> -> memref<16xi32, #tpu.memory_space<hbm>>
      tpu.enqueue_dma source(%dma_start3A_8 : memref<16xi32, #tpu.memory_space<hbm>>) target(%arg5 : memref<16xi32, #tpu.memory_space<vmem>>) target_semaphore(%run_scoped3A : memref<!tpu.dma_semaphore, #tpu.memory_space<semaphore_mem>>)
      %dma_wait3A_9 = tpu.memref_slice %arg3[%mul3A_2] : memref<512xi32, #tpu.memory_space<hbm>> -> memref<16xi32, #tpu.memory_space<hbm>>
      %dma_wait3A_10 = tpu.memref_slice %arg3[%mul3A_2] : memref<512xi32, #tpu.memory_space<hbm>> -> memref<16xi32, #tpu.memory_space<hbm>>
      tpu.wait_dma2 semaphore(%run_scoped3A : memref<!tpu.dma_semaphore, #tpu.memory_space<semaphore_mem>>) src(%dma_wait3A_10 : memref<16xi32, #tpu.memory_space<hbm>>) dst(%arg5 : memref<16xi32, #tpu.memory_space<vmem>>)
      tpu.yield
    }) : () -> ()
    %dma_start3A = arith.constant 0 : i32
    %dma_start3A_3 = arith.constant 0 : i32
    %dma_start3A_4 = tpu.memref_slice %arg2[%dma_start3A, %dma_start3A_3] : memref<512x2048xf32, #tpu.memory_space<hbm>> -> memref<512x2048xf32, #tpu.memory_space<hbm>>
    tpu.enqueue_indirect_dma source(%dma_start3A_4 : memref<512x2048xf32, #tpu.memory_space<hbm>>) target(%arg6 : memref<16x2048xf32, #tpu.memory_space<vmem>>) offsets(%arg5 : memref<16xi32, #tpu.memory_space<vmem>>) semaphore(%arg7 : memref<!tpu.dma_semaphore, #tpu.memory_space<semaphore_mem>>)
    %dma_wait3A = arith.constant 0 : i32
    %dma_wait3A_5 = arith.constant 0 : i32
    %dma_wait3A_6 = tpu.memref_slice %arg2[%dma_wait3A, %dma_wait3A_5] : memref<512x2048xf32, #tpu.memory_space<hbm>> -> memref<512x2048xf32, #tpu.memory_space<hbm>>
    tpu.wait_indirect_dma semaphore(%arg7 : memref<!tpu.dma_semaphore, #tpu.memory_space<semaphore_mem>>) src(%dma_wait3A_6 : memref<512x2048xf32, #tpu.memory_space<hbm>>) dst(%arg6 : memref<16x2048xf32, #tpu.memory_space<vmem>>)
    "tpu.region"() ({
      %run_scoped3A = tpu.sem_alloc : memref<!tpu.dma_semaphore, #tpu.memory_space<semaphore_mem>>
      %dma_start3A_7 = arith.constant 0 : i32
      %dma_start3A_8 = tpu.memref_slice %arg4[%mul3A_2, %dma_start3A_7] : memref<512x2048xf32, #tpu.memory_space<hbm>> -> memref<16x2048xf32, #tpu.memory_space<hbm>>
      %dma_start3A_9 = arith.constant 0 : i32
      %dma_start3A_10 = tpu.memref_slice %arg4[%mul3A_2, %dma_start3A_9] : memref<512x2048xf32, #tpu.memory_space<hbm>> -> memref<16x2048xf32, #tpu.memory_space<hbm>>
      tpu.enqueue_dma source(%arg6 : memref<16x2048xf32, #tpu.memory_space<vmem>>) target(%dma_start3A_10 : memref<16x2048xf32, #tpu.memory_space<hbm>>) target_semaphore(%run_scoped3A : memref<!tpu.dma_semaphore, #tpu.memory_space<semaphore_mem>>)
      %dma_wait3A_11 = arith.constant 0 : i32
      %dma_wait3A_12 = tpu.memref_slice %arg4[%mul3A_2, %dma_wait3A_11] : memref<512x2048xf32, #tpu.memory_space<hbm>> -> memref<16x2048xf32, #tpu.memory_space<hbm>>
      %dma_wait3A_13 = arith.constant 0 : i32
      %dma_wait3A_14 = tpu.memref_slice %arg4[%mul3A_2, %dma_wait3A_13] : memref<512x2048xf32, #tpu.memory_space<hbm>> -> memref<16x2048xf32, #tpu.memory_space<hbm>>
      tpu.wait_dma2 semaphore(%run_scoped3A : memref<!tpu.dma_semaphore, #tpu.memory_space<semaphore_mem>>) src(%arg6 : memref<16x2048xf32, #tpu.memory_space<vmem>>) dst(%dma_wait3A_14 : memref<16x2048xf32, #tpu.memory_space<hbm>>)
      tpu.yield
    }) : () -> ()
    return
  }
}

module attributes {stable_mosaic.version = 14 : i64} {
  func.func @_apply_kernel(%arg0: i32, %arg1: i32, %arg2: memref<1x256x2048xf32, #tpu.memory_space<vmem>>, %arg3: memref<1x2048x128xf32, #tpu.memory_space<vmem>>, %arg4: memref<1x128x2048xf32, #tpu.memory_space<vmem>>, %arg5: memref<1x256x2048xf32, #tpu.memory_space<vmem>>) attributes {dimension_semantics = [#tpu.dimension_semantics<arbitrary>, #tpu.dimension_semantics<arbitrary>], iteration_bounds = array<i64: 4, 8>, scalar_prefetch = 0 : i64, scratch_operands = 0 : i64, tpu.core_type = #tpu.core_type<tc>, window_params = [{transform_indices = @transform_0, window_bounds = array<i64: 1, 256, 2048>}, {transform_indices = @transform_1, window_bounds = array<i64: 1, 2048, 128>}, {transform_indices = @transform_2, window_bounds = array<i64: 1, 128, 2048>}, {transform_indices = @transform_3, window_bounds = array<i64: 1, 256, 2048>}]} {
    %get3A = arith.constant 0 : index
    %get3A_0 = arith.constant 0 : index
    %get3A_1 = arith.constant 0 : index
    %get3A_2 = vector.load %arg2[%get3A, %get3A_0, %get3A_1] : memref<1x256x2048xf32, #tpu.memory_space<vmem>>, vector<1x256x2048xf32>
    %get3A_3 = vector.shape_cast %get3A_2 : vector<1x256x2048xf32> to vector<256x2048xf32>
    %get3A_4 = arith.constant 0 : index
    %get3A_5 = arith.constant 0 : index
    %get3A_6 = arith.constant 0 : index
    %get3A_7 = vector.load %arg3[%get3A_4, %get3A_5, %get3A_6] : memref<1x2048x128xf32, #tpu.memory_space<vmem>>, vector<1x2048x128xf32>
    %get3A_8 = vector.shape_cast %get3A_7 : vector<1x2048x128xf32> to vector<2048x128xf32>
    %dot_general3A = arith.constant dense<0.000000e+00> : vector<256x128xf32>
    %dot_general3A_9 = tpu.matmul %get3A_3, %get3A_8, %dot_general3A {dimension_numbers = #tpu.dot_dimension_numbers<[1], [0], [0], [1], [0, 0, 1, 1], [], []>, transpose_lhs_hint = false} : vector<256x2048xf32>, vector<2048x128xf32>, vector<256x128xf32> -> vector<256x128xf32>
    %get3A_10 = arith.constant 0 : index
    %get3A_11 = arith.constant 0 : index
    %get3A_12 = arith.constant 0 : index
    %get3A_13 = vector.load %arg4[%get3A_10, %get3A_11, %get3A_12] : memref<1x128x2048xf32, #tpu.memory_space<vmem>>, vector<1x128x2048xf32>
    %get3A_14 = vector.shape_cast %get3A_13 : vector<1x128x2048xf32> to vector<128x2048xf32>
    %dot_general3A_15 = arith.constant dense<0.000000e+00> : vector<256x2048xf32>
    %dot_general3A_16 = tpu.matmul %dot_general3A_9, %get3A_14, %dot_general3A_15 {dimension_numbers = #tpu.dot_dimension_numbers<[1], [0], [0], [1], [0, 0, 1, 1], [], []>, transpose_lhs_hint = false} : vector<256x128xf32>, vector<128x2048xf32>, vector<256x2048xf32> -> vector<256x2048xf32>
    %add3A = arith.addf %get3A_3, %dot_general3A_16 : vector<256x2048xf32>
    %swap3A = arith.constant 0 : index
    %swap3A_17 = arith.constant 0 : index
    %swap3A_18 = arith.constant 0 : index
    %swap3A_19 = vector.load %arg5[%swap3A, %swap3A_17, %swap3A_18] : memref<1x256x2048xf32, #tpu.memory_space<vmem>>, vector<1x256x2048xf32>
    %swap3A_20 = vector.shape_cast %swap3A_19 : vector<1x256x2048xf32> to vector<256x2048xf32>
    %swap3A_21 = vector.shape_cast %add3A : vector<256x2048xf32> to vector<1x256x2048xf32>
    tpu.vector_store %arg5[%swap3A, %swap3A_17, %swap3A_18], %swap3A_21 {strides = array<i32>} : memref<1x256x2048xf32, #tpu.memory_space<vmem>>, vector<1x256x2048xf32>,
    return
  }
  func.func @transform_0(%arg0: i32, %arg1: i32) -> (i32, i32, i32) {
    %c0_i32 = arith.constant 0 : i32
    %c0_i32_0 = arith.constant 0 : i32
    return %arg0, %arg1, %c0_i32 : i32, i32, i32
  }
  func.func @transform_1(%arg0: i32, %arg1: i32) -> (i32, i32, i32) {
    %c0_i32 = arith.constant 0 : i32
    %c0_i32_0 = arith.constant 0 : i32
    %c0_i32_1 = arith.constant 0 : i32
    return %arg0, %c0_i32, %c0_i32_0 : i32, i32, i32
  }
  func.func @transform_2(%arg0: i32, %arg1: i32) -> (i32, i32, i32) {
    %c0_i32 = arith.constant 0 : i32
    %c0_i32_0 = arith.constant 0 : i32
    %c0_i32_1 = arith.constant 0 : i32
    return %arg0, %c0_i32, %c0_i32_0 : i32, i32, i32
  }
  func.func @transform_3(%arg0: i32, %arg1: i32) -> (i32, i32, i32) {
    %c0_i32 = arith.constant 0 : i32
    %c0_i32_0 = arith.constant 0 : i32
    return %arg0, %arg1, %c0_i32 : i32, i32, i32
  }
}

module attributes {stable_mosaic.version = 14 : i64} {
  func.func @_route_kernel(%arg0: memref<4x2048xf32, #tpu.memory_space<vmem>>, %arg1: memref<4x1024xf32, #tpu.memory_space<vmem>>, %arg2: memref<512x2048xf32, #tpu.memory_space<vmem>>, %arg3: memref<512x1024xf32, #tpu.memory_space<vmem>>, %arg4: memref<2048x512xf32, #tpu.memory_space<vmem>>, %arg5: memref<4x2048x128xf32, #tpu.memory_space<vmem>>, %arg6: memref<4x1x128xi32, #tpu.memory_space<vmem>>) attributes {dimension_semantics = [], scalar_prefetch = 0 : i64, scratch_operands = 0 : i64, tpu.core_type = #tpu.core_type<tc>} {
    %get3A = arith.constant 0 : index
    %get3A_0 = arith.constant 0 : index
    %get3A_1 = vector.load %arg0[%get3A, %get3A_0] : memref<4x2048xf32, #tpu.memory_space<vmem>>, vector<4x2048xf32>
    %get3A_2 = arith.constant 0 : index
    %get3A_3 = arith.constant 0 : index
    %get3A_4 = vector.load %arg2[%get3A_2, %get3A_3] : memref<512x2048xf32, #tpu.memory_space<vmem>>, vector<512x2048xf32>
    %dot_general3A = arith.constant dense<0.000000e+00> : vector<4x512xf32>
    %dot_general3A_5 = tpu.matmul %get3A_1, %get3A_4, %dot_general3A {dimension_numbers = #tpu.dot_dimension_numbers<[1], [1], [0], [0], [0, 0, 1, 0], [], []>, transpose_lhs_hint = false} : vector<4x2048xf32>, vector<512x2048xf32>, vector<4x512xf32> -> vector<4x512xf32>
    %get3A_6 = arith.constant 0 : index
    %get3A_7 = arith.constant 0 : index
    %get3A_8 = vector.load %arg1[%get3A_6, %get3A_7] : memref<4x1024xf32, #tpu.memory_space<vmem>>, vector<4x1024xf32>
    %get3A_9 = arith.constant 0 : index
    %get3A_10 = arith.constant 0 : index
    %get3A_11 = vector.load %arg3[%get3A_9, %get3A_10] : memref<512x1024xf32, #tpu.memory_space<vmem>>, vector<512x1024xf32>
    %dot_general3A_12 = arith.constant dense<0.000000e+00> : vector<4x512xf32>
    %dot_general3A_13 = tpu.matmul %get3A_8, %get3A_11, %dot_general3A_12 {dimension_numbers = #tpu.dot_dimension_numbers<[1], [1], [0], [0], [0, 0, 1, 0], [], []>, transpose_lhs_hint = false} : vector<4x1024xf32>, vector<512x1024xf32>, vector<4x512xf32> -> vector<4x512xf32>
    %mul3A = arith.constant 5.000000e-01 : f32
    %mul3A_14 = vector.broadcast %mul3A : f32 to vector<4x512xf32>
    %mul3A_15 = arith.mulf %mul3A_14, %dot_general3A_13 : vector<4x512xf32>
    %add3A = arith.addf %dot_general3A_5, %mul3A_15 : vector<4x512xf32>
    %bitcast_convert_type3A = tpu.bitcast %add3A : vector<4x512xf32> -> vector<4x512xi32>
    %shift_right_arithmetic3A = arith.constant 31 : i32
    %shift_right_arithmetic3A_16 = vector.broadcast %shift_right_arithmetic3A : i32 to vector<4x512xi32>
    %shift_right_arithmetic3A_17 = arith.shrsi %bitcast_convert_type3A, %shift_right_arithmetic3A_16 : vector<4x512xi32>
    %and3A = arith.constant 2147483647 : i32
    %and3A_18 = vector.broadcast %and3A : i32 to vector<4x512xi32>
    %and3A_19 = arith.andi %shift_right_arithmetic3A_17, %and3A_18 : vector<4x512xi32>
    %xor3A = arith.xori %bitcast_convert_type3A, %and3A_19 : vector<4x512xi32>
    %broadcast_in_dim3A = arith.constant -2147483648 : i32
    %broadcast_in_dim3A_20 = vector.broadcast %broadcast_in_dim3A : i32 to vector<4x1xi32>
    %broadcast_in_dim3A_21 = arith.constant 0 : i32
    %broadcast_in_dim3A_22 = vector.broadcast %broadcast_in_dim3A_21 : i32 to vector<4x1xi32>
    %ge3A = vector.broadcast %broadcast_in_dim3A_22 : vector<4x1xi32> to vector<4x512xi32>
    %ge3A_23 = arith.cmpi sge, %xor3A, %ge3A : vector<4x512xi32>
    %convert_element_type3A = arith.extui %ge3A_23 : vector<4x512xi1> to vector<4x512xi32>
    %reduce_sum3A = arith.constant dense<0> : vector<4xi32>
    %reduce_sum3A_24 = vector.multi_reduction <add>, %convert_element_type3A, %reduce_sum3A [1] : vector<4x512xi32> to vector<4xi32>
    %broadcast_in_dim3A_25 = vector.shape_cast %reduce_sum3A_24 : vector<4xi32> to vector<4x1xi32>
    %ge3A_26 = arith.constant 128 : i32
    %ge3A_27 = vector.broadcast %ge3A_26 : i32 to vector<4x1xi32>
    %ge3A_28 = arith.cmpi sge, %broadcast_in_dim3A_25, %ge3A_27 : vector<4x1xi32>
    %select_n3A = arith.select %ge3A_28, %broadcast_in_dim3A_22, %broadcast_in_dim3A_20 : vector<4x1xi1>, vector<4x1xi32>
    %or3A = arith.constant 1073741824 : i32
    %or3A_29 = vector.broadcast %or3A : i32 to vector<4x1xi32>
    %or3A_30 = arith.ori %select_n3A, %or3A_29 : vector<4x1xi32>
    %ge3A_31 = vector.broadcast %or3A_30 : vector<4x1xi32> to vector<4x512xi32>
    %ge3A_32 = arith.cmpi sge, %xor3A, %ge3A_31 : vector<4x512xi32>
    %convert_element_type3A_33 = arith.extui %ge3A_32 : vector<4x512xi1> to vector<4x512xi32>
    %reduce_sum3A_34 = arith.constant dense<0> : vector<4xi32>
    %reduce_sum3A_35 = vector.multi_reduction <add>, %convert_element_type3A_33, %reduce_sum3A_34 [1] : vector<4x512xi32> to vector<4xi32>
    %broadcast_in_dim3A_36 = vector.shape_cast %reduce_sum3A_35 : vector<4xi32> to vector<4x1xi32>
    %ge3A_37 = arith.constant 128 : i32
    %ge3A_38 = vector.broadcast %ge3A_37 : i32 to vector<4x1xi32>
    %ge3A_39 = arith.cmpi sge, %broadcast_in_dim3A_36, %ge3A_38 : vector<4x1xi32>
    %select_n3A_40 = arith.select %ge3A_39, %or3A_30, %select_n3A : vector<4x1xi1>, vector<4x1xi32>
    %or3A_41 = arith.constant 536870912 : i32
    %or3A_42 = vector.broadcast %or3A_41 : i32 to vector<4x1xi32>
    %or3A_43 = arith.ori %select_n3A_40, %or3A_42 : vector<4x1xi32>
    %ge3A_44 = vector.broadcast %or3A_43 : vector<4x1xi32> to vector<4x512xi32>
    %ge3A_45 = arith.cmpi sge, %xor3A, %ge3A_44 : vector<4x512xi32>
    %convert_element_type3A_46 = arith.extui %ge3A_45 : vector<4x512xi1> to vector<4x512xi32>
    %reduce_sum3A_47 = arith.constant dense<0> : vector<4xi32>
    %reduce_sum3A_48 = vector.multi_reduction <add>, %convert_element_type3A_46, %reduce_sum3A_47 [1] : vector<4x512xi32> to vector<4xi32>
    %broadcast_in_dim3A_49 = vector.shape_cast %reduce_sum3A_48 : vector<4xi32> to vector<4x1xi32>
    %ge3A_50 = arith.constant 128 : i32
    %ge3A_51 = vector.broadcast %ge3A_50 : i32 to vector<4x1xi32>
    %ge3A_52 = arith.cmpi sge, %broadcast_in_dim3A_49, %ge3A_51 : vector<4x1xi32>
    %select_n3A_53 = arith.select %ge3A_52, %or3A_43, %select_n3A_40 : vector<4x1xi1>, vector<4x1xi32>
    %or3A_54 = arith.constant 268435456 : i32
    %or3A_55 = vector.broadcast %or3A_54 : i32 to vector<4x1xi32>
    %or3A_56 = arith.ori %select_n3A_53, %or3A_55 : vector<4x1xi32>
    %ge3A_57 = vector.broadcast %or3A_56 : vector<4x1xi32> to vector<4x512xi32>
    %ge3A_58 = arith.cmpi sge, %xor3A, %ge3A_57 : vector<4x512xi32>
    %convert_element_type3A_59 = arith.extui %ge3A_58 : vector<4x512xi1> to vector<4x512xi32>
    %reduce_sum3A_60 = arith.constant dense<0> : vector<4xi32>
    %reduce_sum3A_61 = vector.multi_reduction <add>, %convert_element_type3A_59, %reduce_sum3A_60 [1] : vector<4x512xi32> to vector<4xi32>
    %broadcast_in_dim3A_62 = vector.shape_cast %reduce_sum3A_61 : vector<4xi32> to vector<4x1xi32>
    %ge3A_63 = arith.constant 128 : i32
    %ge3A_64 = vector.broadcast %ge3A_63 : i32 to vector<4x1xi32>
    %ge3A_65 = arith.cmpi sge, %broadcast_in_dim3A_62, %ge3A_64 : vector<4x1xi32>
    %select_n3A_66 = arith.select %ge3A_65, %or3A_56, %select_n3A_53 : vector<4x1xi1>, vector<4x1xi32>
    %or3A_67 = arith.constant 134217728 : i32
    %or3A_68 = vector.broadcast %or3A_67 : i32 to vector<4x1xi32>
    %or3A_69 = arith.ori %select_n3A_66, %or3A_68 : vector<4x1xi32>
    %ge3A_70 = vector.broadcast %or3A_69 : vector<4x1xi32> to vector<4x512xi32>
    %ge3A_71 = arith.cmpi sge, %xor3A, %ge3A_70 : vector<4x512xi32>
    %convert_element_type3A_72 = arith.extui %ge3A_71 : vector<4x512xi1> to vector<4x512xi32>
    %reduce_sum3A_73 = arith.constant dense<0> : vector<4xi32>
    %reduce_sum3A_74 = vector.multi_reduction <add>, %convert_element_type3A_72, %reduce_sum3A_73 [1] : vector<4x512xi32> to vector<4xi32>
    %broadcast_in_dim3A_75 = vector.shape_cast %reduce_sum3A_74 : vector<4xi32> to vector<4x1xi32>
    %ge3A_76 = arith.constant 128 : i32
    %ge3A_77 = vector.broadcast %ge3A_76 : i32 to vector<4x1xi32>
    %ge3A_78 = arith.cmpi sge, %broadcast_in_dim3A_75, %ge3A_77 : vector<4x1xi32>
    %select_n3A_79 = arith.select %ge3A_78, %or3A_69, %select_n3A_66 : vector<4x1xi1>, vector<4x1xi32>
    %or3A_80 = arith.constant 67108864 : i32
    %or3A_81 = vector.broadcast %or3A_80 : i32 to vector<4x1xi32>
    %or3A_82 = arith.ori %select_n3A_79, %or3A_81 : vector<4x1xi32>
    %ge3A_83 = vector.broadcast %or3A_82 : vector<4x1xi32> to vector<4x512xi32>
    %ge3A_84 = arith.cmpi sge, %xor3A, %ge3A_83 : vector<4x512xi32>
    %convert_element_type3A_85 = arith.extui %ge3A_84 : vector<4x512xi1> to vector<4x512xi32>
    %reduce_sum3A_86 = arith.constant dense<0> : vector<4xi32>
    %reduce_sum3A_87 = vector.multi_reduction <add>, %convert_element_type3A_85, %reduce_sum3A_86 [1] : vector<4x512xi32> to vector<4xi32>
    %broadcast_in_dim3A_88 = vector.shape_cast %reduce_sum3A_87 : vector<4xi32> to vector<4x1xi32>
    %ge3A_89 = arith.constant 128 : i32
    %ge3A_90 = vector.broadcast %ge3A_89 : i32 to vector<4x1xi32>
    %ge3A_91 = arith.cmpi sge, %broadcast_in_dim3A_88, %ge3A_90 : vector<4x1xi32>
    %select_n3A_92 = arith.select %ge3A_91, %or3A_82, %select_n3A_79 : vector<4x1xi1>, vector<4x1xi32>
    %or3A_93 = arith.constant 33554432 : i32
    %or3A_94 = vector.broadcast %or3A_93 : i32 to vector<4x1xi32>
    %or3A_95 = arith.ori %select_n3A_92, %or3A_94 : vector<4x1xi32>
    %ge3A_96 = vector.broadcast %or3A_95 : vector<4x1xi32> to vector<4x512xi32>
    %ge3A_97 = arith.cmpi sge, %xor3A, %ge3A_96 : vector<4x512xi32>
    %convert_element_type3A_98 = arith.extui %ge3A_97 : vector<4x512xi1> to vector<4x512xi32>
    %reduce_sum3A_99 = arith.constant dense<0> : vector<4xi32>
    %reduce_sum3A_100 = vector.multi_reduction <add>, %convert_element_type3A_98, %reduce_sum3A_99 [1] : vector<4x512xi32> to vector<4xi32>
    %broadcast_in_dim3A_101 = vector.shape_cast %reduce_sum3A_100 : vector<4xi32> to vector<4x1xi32>
    %ge3A_102 = arith.constant 128 : i32
    %ge3A_103 = vector.broadcast %ge3A_102 : i32 to vector<4x1xi32>
    %ge3A_104 = arith.cmpi sge, %broadcast_in_dim3A_101, %ge3A_103 : vector<4x1xi32>
    %select_n3A_105 = arith.select %ge3A_104, %or3A_95, %select_n3A_92 : vector<4x1xi1>, vector<4x1xi32>
    %or3A_106 = arith.constant 16777216 : i32
    %or3A_107 = vector.broadcast %or3A_106 : i32 to vector<4x1xi32>
    %or3A_108 = arith.ori %select_n3A_105, %or3A_107 : vector<4x1xi32>
    %ge3A_109 = vector.broadcast %or3A_108 : vector<4x1xi32> to vector<4x512xi32>
    %ge3A_110 = arith.cmpi sge, %xor3A, %ge3A_109 : vector<4x512xi32>
    %convert_element_type3A_111 = arith.extui %ge3A_110 : vector<4x512xi1> to vector<4x512xi32>
    %reduce_sum3A_112 = arith.constant dense<0> : vector<4xi32>
    %reduce_sum3A_113 = vector.multi_reduction <add>, %convert_element_type3A_111, %reduce_sum3A_112 [1] : vector<4x512xi32> to vector<4xi32>
    %broadcast_in_dim3A_114 = vector.shape_cast %reduce_sum3A_113 : vector<4xi32> to vector<4x1xi32>
    %ge3A_115 = arith.constant 128 : i32
    %ge3A_116 = vector.broadcast %ge3A_115 : i32 to vector<4x1xi32>
    %ge3A_117 = arith.cmpi sge, %broadcast_in_dim3A_114, %ge3A_116 : vector<4x1xi32>
    %select_n3A_118 = arith.select %ge3A_117, %or3A_108, %select_n3A_105 : vector<4x1xi1>, vector<4x1xi32>
    %or3A_119 = arith.constant 8388608 : i32
    %or3A_120 = vector.broadcast %or3A_119 : i32 to vector<4x1xi32>
    %or3A_121 = arith.ori %select_n3A_118, %or3A_120 : vector<4x1xi32>
    %ge3A_122 = vector.broadcast %or3A_121 : vector<4x1xi32> to vector<4x512xi32>
    %ge3A_123 = arith.cmpi sge, %xor3A, %ge3A_122 : vector<4x512xi32>
    %convert_element_type3A_124 = arith.extui %ge3A_123 : vector<4x512xi1> to vector<4x512xi32>
    %reduce_sum3A_125 = arith.constant dense<0> : vector<4xi32>
    %reduce_sum3A_126 = vector.multi_reduction <add>, %convert_element_type3A_124, %reduce_sum3A_125 [1] : vector<4x512xi32> to vector<4xi32>
    %broadcast_in_dim3A_127 = vector.shape_cast %reduce_sum3A_126 : vector<4xi32> to vector<4x1xi32>
    %ge3A_128 = arith.constant 128 : i32
    %ge3A_129 = vector.broadcast %ge3A_128 : i32 to vector<4x1xi32>
    %ge3A_130 = arith.cmpi sge, %broadcast_in_dim3A_127, %ge3A_129 : vector<4x1xi32>
    %select_n3A_131 = arith.select %ge3A_130, %or3A_121, %select_n3A_118 : vector<4x1xi1>, vector<4x1xi32>
    %or3A_132 = arith.constant 4194304 : i32
    %or3A_133 = vector.broadcast %or3A_132 : i32 to vector<4x1xi32>
    %or3A_134 = arith.ori %select_n3A_131, %or3A_133 : vector<4x1xi32>
    %ge3A_135 = vector.broadcast %or3A_134 : vector<4x1xi32> to vector<4x512xi32>
    %ge3A_136 = arith.cmpi sge, %xor3A, %ge3A_135 : vector<4x512xi32>
    %convert_element_type3A_137 = arith.extui %ge3A_136 : vector<4x512xi1> to vector<4x512xi32>
    %reduce_sum3A_138 = arith.constant dense<0> : vector<4xi32>
    %reduce_sum3A_139 = vector.multi_reduction <add>, %convert_element_type3A_137, %reduce_sum3A_138 [1] : vector<4x512xi32> to vector<4xi32>
    %broadcast_in_dim3A_140 = vector.shape_cast %reduce_sum3A_139 : vector<4xi32> to vector<4x1xi32>
    %ge3A_141 = arith.constant 128 : i32
    %ge3A_142 = vector.broadcast %ge3A_141 : i32 to vector<4x1xi32>
    %ge3A_143 = arith.cmpi sge, %broadcast_in_dim3A_140, %ge3A_142 : vector<4x1xi32>
    %select_n3A_144 = arith.select %ge3A_143, %or3A_134, %select_n3A_131 : vector<4x1xi1>, vector<4x1xi32>
    %or3A_145 = arith.constant 2097152 : i32
    %or3A_146 = vector.broadcast %or3A_145 : i32 to vector<4x1xi32>
    %or3A_147 = arith.ori %select_n3A_144, %or3A_146 : vector<4x1xi32>
    %ge3A_148 = vector.broadcast %or3A_147 : vector<4x1xi32> to vector<4x512xi32>
    %ge3A_149 = arith.cmpi sge, %xor3A, %ge3A_148 : vector<4x512xi32>
    %convert_element_type3A_150 = arith.extui %ge3A_149 : vector<4x512xi1> to vector<4x512xi32>
    %reduce_sum3A_151 = arith.constant dense<0> : vector<4xi32>
    %reduce_sum3A_152 = vector.multi_reduction <add>, %convert_element_type3A_150, %reduce_sum3A_151 [1] : vector<4x512xi32> to vector<4xi32>
    %broadcast_in_dim3A_153 = vector.shape_cast %reduce_sum3A_152 : vector<4xi32> to vector<4x1xi32>
    %ge3A_154 = arith.constant 128 : i32
    %ge3A_155 = vector.broadcast %ge3A_154 : i32 to vector<4x1xi32>
    %ge3A_156 = arith.cmpi sge, %broadcast_in_dim3A_153, %ge3A_155 : vector<4x1xi32>
    %select_n3A_157 = arith.select %ge3A_156, %or3A_147, %select_n3A_144 : vector<4x1xi1>, vector<4x1xi32>
    %or3A_158 = arith.constant 1048576 : i32
    %or3A_159 = vector.broadcast %or3A_158 : i32 to vector<4x1xi32>
    %or3A_160 = arith.ori %select_n3A_157, %or3A_159 : vector<4x1xi32>
    %ge3A_161 = vector.broadcast %or3A_160 : vector<4x1xi32> to vector<4x512xi32>
    %ge3A_162 = arith.cmpi sge, %xor3A, %ge3A_161 : vector<4x512xi32>
    %convert_element_type3A_163 = arith.extui %ge3A_162 : vector<4x512xi1> to vector<4x512xi32>
    %reduce_sum3A_164 = arith.constant dense<0> : vector<4xi32>
    %reduce_sum3A_165 = vector.multi_reduction <add>, %convert_element_type3A_163, %reduce_sum3A_164 [1] : vector<4x512xi32> to vector<4xi32>
    %broadcast_in_dim3A_166 = vector.shape_cast %reduce_sum3A_165 : vector<4xi32> to vector<4x1xi32>
    %ge3A_167 = arith.constant 128 : i32
    %ge3A_168 = vector.broadcast %ge3A_167 : i32 to vector<4x1xi32>
    %ge3A_169 = arith.cmpi sge, %broadcast_in_dim3A_166, %ge3A_168 : vector<4x1xi32>
    %select_n3A_170 = arith.select %ge3A_169, %or3A_160, %select_n3A_157 : vector<4x1xi1>, vector<4x1xi32>
    %or3A_171 = arith.constant 524288 : i32
    %or3A_172 = vector.broadcast %or3A_171 : i32 to vector<4x1xi32>
    %or3A_173 = arith.ori %select_n3A_170, %or3A_172 : vector<4x1xi32>
    %ge3A_174 = vector.broadcast %or3A_173 : vector<4x1xi32> to vector<4x512xi32>
    %ge3A_175 = arith.cmpi sge, %xor3A, %ge3A_174 : vector<4x512xi32>
    %convert_element_type3A_176 = arith.extui %ge3A_175 : vector<4x512xi1> to vector<4x512xi32>
    %reduce_sum3A_177 = arith.constant dense<0> : vector<4xi32>
    %reduce_sum3A_178 = vector.multi_reduction <add>, %convert_element_type3A_176, %reduce_sum3A_177 [1] : vector<4x512xi32> to vector<4xi32>
    %broadcast_in_dim3A_179 = vector.shape_cast %reduce_sum3A_178 : vector<4xi32> to vector<4x1xi32>
    %ge3A_180 = arith.constant 128 : i32
    %ge3A_181 = vector.broadcast %ge3A_180 : i32 to vector<4x1xi32>
    %ge3A_182 = arith.cmpi sge, %broadcast_in_dim3A_179, %ge3A_181 : vector<4x1xi32>
    %select_n3A_183 = arith.select %ge3A_182, %or3A_173, %select_n3A_170 : vector<4x1xi1>, vector<4x1xi32>
    %or3A_184 = arith.constant 262144 : i32
    %or3A_185 = vector.broadcast %or3A_184 : i32 to vector<4x1xi32>
    %or3A_186 = arith.ori %select_n3A_183, %or3A_185 : vector<4x1xi32>
    %ge3A_187 = vector.broadcast %or3A_186 : vector<4x1xi32> to vector<4x512xi32>
    %ge3A_188 = arith.cmpi sge, %xor3A, %ge3A_187 : vector<4x512xi32>
    %convert_element_type3A_189 = arith.extui %ge3A_188 : vector<4x512xi1> to vector<4x512xi32>
    %reduce_sum3A_190 = arith.constant dense<0> : vector<4xi32>
    %reduce_sum3A_191 = vector.multi_reduction <add>, %convert_element_type3A_189, %reduce_sum3A_190 [1] : vector<4x512xi32> to vector<4xi32>
    %broadcast_in_dim3A_192 = vector.shape_cast %reduce_sum3A_191 : vector<4xi32> to vector<4x1xi32>
    %ge3A_193 = arith.constant 128 : i32
    %ge3A_194 = vector.broadcast %ge3A_193 : i32 to vector<4x1xi32>
    %ge3A_195 = arith.cmpi sge, %broadcast_in_dim3A_192, %ge3A_194 : vector<4x1xi32>
    %select_n3A_196 = arith.select %ge3A_195, %or3A_186, %select_n3A_183 : vector<4x1xi1>, vector<4x1xi32>
    %or3A_197 = arith.constant 131072 : i32
    %or3A_198 = vector.broadcast %or3A_197 : i32 to vector<4x1xi32>
    %or3A_199 = arith.ori %select_n3A_196, %or3A_198 : vector<4x1xi32>
    %ge3A_200 = vector.broadcast %or3A_199 : vector<4x1xi32> to vector<4x512xi32>
    %ge3A_201 = arith.cmpi sge, %xor3A, %ge3A_200 : vector<4x512xi32>
    %convert_element_type3A_202 = arith.extui %ge3A_201 : vector<4x512xi1> to vector<4x512xi32>
    %reduce_sum3A_203 = arith.constant dense<0> : vector<4xi32>
    %reduce_sum3A_204 = vector.multi_reduction <add>, %convert_element_type3A_202, %reduce_sum3A_203 [1] : vector<4x512xi32> to vector<4xi32>
    %broadcast_in_dim3A_205 = vector.shape_cast %reduce_sum3A_204 : vector<4xi32> to vector<4x1xi32>
    %ge3A_206 = arith.constant 128 : i32
    %ge3A_207 = vector.broadcast %ge3A_206 : i32 to vector<4x1xi32>
    %ge3A_208 = arith.cmpi sge, %broadcast_in_dim3A_205, %ge3A_207 : vector<4x1xi32>
    %select_n3A_209 = arith.select %ge3A_208, %or3A_199, %select_n3A_196 : vector<4x1xi1>, vector<4x1xi32>
    %or3A_210 = arith.constant 65536 : i32
    %or3A_211 = vector.broadcast %or3A_210 : i32 to vector<4x1xi32>
    %or3A_212 = arith.ori %select_n3A_209, %or3A_211 : vector<4x1xi32>
    %ge3A_213 = vector.broadcast %or3A_212 : vector<4x1xi32> to vector<4x512xi32>
    %ge3A_214 = arith.cmpi sge, %xor3A, %ge3A_213 : vector<4x512xi32>
    %convert_element_type3A_215 = arith.extui %ge3A_214 : vector<4x512xi1> to vector<4x512xi32>
    %reduce_sum3A_216 = arith.constant dense<0> : vector<4xi32>
    %reduce_sum3A_217 = vector.multi_reduction <add>, %convert_element_type3A_215, %reduce_sum3A_216 [1] : vector<4x512xi32> to vector<4xi32>
    %broadcast_in_dim3A_218 = vector.shape_cast %reduce_sum3A_217 : vector<4xi32> to vector<4x1xi32>
    %ge3A_219 = arith.constant 128 : i32
    %ge3A_220 = vector.broadcast %ge3A_219 : i32 to vector<4x1xi32>
    %ge3A_221 = arith.cmpi sge, %broadcast_in_dim3A_218, %ge3A_220 : vector<4x1xi32>
    %select_n3A_222 = arith.select %ge3A_221, %or3A_212, %select_n3A_209 : vector<4x1xi1>, vector<4x1xi32>
    %or3A_223 = arith.constant 32768 : i32
    %or3A_224 = vector.broadcast %or3A_223 : i32 to vector<4x1xi32>
    %or3A_225 = arith.ori %select_n3A_222, %or3A_224 : vector<4x1xi32>
    %ge3A_226 = vector.broadcast %or3A_225 : vector<4x1xi32> to vector<4x512xi32>
    %ge3A_227 = arith.cmpi sge, %xor3A, %ge3A_226 : vector<4x512xi32>
    %convert_element_type3A_228 = arith.extui %ge3A_227 : vector<4x512xi1> to vector<4x512xi32>
    %reduce_sum3A_229 = arith.constant dense<0> : vector<4xi32>
    %reduce_sum3A_230 = vector.multi_reduction <add>, %convert_element_type3A_228, %reduce_sum3A_229 [1] : vector<4x512xi32> to vector<4xi32>
    %broadcast_in_dim3A_231 = vector.shape_cast %reduce_sum3A_230 : vector<4xi32> to vector<4x1xi32>
    %ge3A_232 = arith.constant 128 : i32
    %ge3A_233 = vector.broadcast %ge3A_232 : i32 to vector<4x1xi32>
    %ge3A_234 = arith.cmpi sge, %broadcast_in_dim3A_231, %ge3A_233 : vector<4x1xi32>
    %select_n3A_235 = arith.select %ge3A_234, %or3A_225, %select_n3A_222 : vector<4x1xi1>, vector<4x1xi32>
    %or3A_236 = arith.constant 16384 : i32
    %or3A_237 = vector.broadcast %or3A_236 : i32 to vector<4x1xi32>
    %or3A_238 = arith.ori %select_n3A_235, %or3A_237 : vector<4x1xi32>
    %ge3A_239 = vector.broadcast %or3A_238 : vector<4x1xi32> to vector<4x512xi32>
    %ge3A_240 = arith.cmpi sge, %xor3A, %ge3A_239 : vector<4x512xi32>
    %convert_element_type3A_241 = arith.extui %ge3A_240 : vector<4x512xi1> to vector<4x512xi32>
    %reduce_sum3A_242 = arith.constant dense<0> : vector<4xi32>
    %reduce_sum3A_243 = vector.multi_reduction <add>, %convert_element_type3A_241, %reduce_sum3A_242 [1] : vector<4x512xi32> to vector<4xi32>
    %broadcast_in_dim3A_244 = vector.shape_cast %reduce_sum3A_243 : vector<4xi32> to vector<4x1xi32>
    %ge3A_245 = arith.constant 128 : i32
    %ge3A_246 = vector.broadcast %ge3A_245 : i32 to vector<4x1xi32>
    %ge3A_247 = arith.cmpi sge, %broadcast_in_dim3A_244, %ge3A_246 : vector<4x1xi32>
    %select_n3A_248 = arith.select %ge3A_247, %or3A_238, %select_n3A_235 : vector<4x1xi1>, vector<4x1xi32>
    %or3A_249 = arith.constant 8192 : i32
    %or3A_250 = vector.broadcast %or3A_249 : i32 to vector<4x1xi32>
    %or3A_251 = arith.ori %select_n3A_248, %or3A_250 : vector<4x1xi32>
    %ge3A_252 = vector.broadcast %or3A_251 : vector<4x1xi32> to vector<4x512xi32>
    %ge3A_253 = arith.cmpi sge, %xor3A, %ge3A_252 : vector<4x512xi32>
    %convert_element_type3A_254 = arith.extui %ge3A_253 : vector<4x512xi1> to vector<4x512xi32>
    %reduce_sum3A_255 = arith.constant dense<0> : vector<4xi32>
    %reduce_sum3A_256 = vector.multi_reduction <add>, %convert_element_type3A_254, %reduce_sum3A_255 [1] : vector<4x512xi32> to vector<4xi32>
    %broadcast_in_dim3A_257 = vector.shape_cast %reduce_sum3A_256 : vector<4xi32> to vector<4x1xi32>
    %ge3A_258 = arith.constant 128 : i32
    %ge3A_259 = vector.broadcast %ge3A_258 : i32 to vector<4x1xi32>
    %ge3A_260 = arith.cmpi sge, %broadcast_in_dim3A_257, %ge3A_259 : vector<4x1xi32>
    %select_n3A_261 = arith.select %ge3A_260, %or3A_251, %select_n3A_248 : vector<4x1xi1>, vector<4x1xi32>
    %or3A_262 = arith.constant 4096 : i32
    %or3A_263 = vector.broadcast %or3A_262 : i32 to vector<4x1xi32>
    %or3A_264 = arith.ori %select_n3A_261, %or3A_263 : vector<4x1xi32>
    %ge3A_265 = vector.broadcast %or3A_264 : vector<4x1xi32> to vector<4x512xi32>
    %ge3A_266 = arith.cmpi sge, %xor3A, %ge3A_265 : vector<4x512xi32>
    %convert_element_type3A_267 = arith.extui %ge3A_266 : vector<4x512xi1> to vector<4x512xi32>
    %reduce_sum3A_268 = arith.constant dense<0> : vector<4xi32>
    %reduce_sum3A_269 = vector.multi_reduction <add>, %convert_element_type3A_267, %reduce_sum3A_268 [1] : vector<4x512xi32> to vector<4xi32>
    %broadcast_in_dim3A_270 = vector.shape_cast %reduce_sum3A_269 : vector<4xi32> to vector<4x1xi32>
    %ge3A_271 = arith.constant 128 : i32
    %ge3A_272 = vector.broadcast %ge3A_271 : i32 to vector<4x1xi32>
    %ge3A_273 = arith.cmpi sge, %broadcast_in_dim3A_270, %ge3A_272 : vector<4x1xi32>
    %select_n3A_274 = arith.select %ge3A_273, %or3A_264, %select_n3A_261 : vector<4x1xi1>, vector<4x1xi32>
    %or3A_275 = arith.constant 2048 : i32
    %or3A_276 = vector.broadcast %or3A_275 : i32 to vector<4x1xi32>
    %or3A_277 = arith.ori %select_n3A_274, %or3A_276 : vector<4x1xi32>
    %ge3A_278 = vector.broadcast %or3A_277 : vector<4x1xi32> to vector<4x512xi32>
    %ge3A_279 = arith.cmpi sge, %xor3A, %ge3A_278 : vector<4x512xi32>
    %convert_element_type3A_280 = arith.extui %ge3A_279 : vector<4x512xi1> to vector<4x512xi32>
    %reduce_sum3A_281 = arith.constant dense<0> : vector<4xi32>
    %reduce_sum3A_282 = vector.multi_reduction <add>, %convert_element_type3A_280, %reduce_sum3A_281 [1] : vector<4x512xi32> to vector<4xi32>
    %broadcast_in_dim3A_283 = vector.shape_cast %reduce_sum3A_282 : vector<4xi32> to vector<4x1xi32>
    %ge3A_284 = arith.constant 128 : i32
    %ge3A_285 = vector.broadcast %ge3A_284 : i32 to vector<4x1xi32>
    %ge3A_286 = arith.cmpi sge, %broadcast_in_dim3A_283, %ge3A_285 : vector<4x1xi32>
    %select_n3A_287 = arith.select %ge3A_286, %or3A_277, %select_n3A_274 : vector<4x1xi1>, vector<4x1xi32>
    %or3A_288 = arith.constant 1024 : i32
    %or3A_289 = vector.broadcast %or3A_288 : i32 to vector<4x1xi32>
    %or3A_290 = arith.ori %select_n3A_287, %or3A_289 : vector<4x1xi32>
    %ge3A_291 = vector.broadcast %or3A_290 : vector<4x1xi32> to vector<4x512xi32>
    %ge3A_292 = arith.cmpi sge, %xor3A, %ge3A_291 : vector<4x512xi32>
    %convert_element_type3A_293 = arith.extui %ge3A_292 : vector<4x512xi1> to vector<4x512xi32>
    %reduce_sum3A_294 = arith.constant dense<0> : vector<4xi32>
    %reduce_sum3A_295 = vector.multi_reduction <add>, %convert_element_type3A_293, %reduce_sum3A_294 [1] : vector<4x512xi32> to vector<4xi32>
    %broadcast_in_dim3A_296 = vector.shape_cast %reduce_sum3A_295 : vector<4xi32> to vector<4x1xi32>
    %ge3A_297 = arith.constant 128 : i32
    %ge3A_298 = vector.broadcast %ge3A_297 : i32 to vector<4x1xi32>
    %ge3A_299 = arith.cmpi sge, %broadcast_in_dim3A_296, %ge3A_298 : vector<4x1xi32>
    %select_n3A_300 = arith.select %ge3A_299, %or3A_290, %select_n3A_287 : vector<4x1xi1>, vector<4x1xi32>
    %or3A_301 = arith.constant 512 : i32
    %or3A_302 = vector.broadcast %or3A_301 : i32 to vector<4x1xi32>
    %or3A_303 = arith.ori %select_n3A_300, %or3A_302 : vector<4x1xi32>
    %ge3A_304 = vector.broadcast %or3A_303 : vector<4x1xi32> to vector<4x512xi32>
    %ge3A_305 = arith.cmpi sge, %xor3A, %ge3A_304 : vector<4x512xi32>
    %convert_element_type3A_306 = arith.extui %ge3A_305 : vector<4x512xi1> to vector<4x512xi32>
    %reduce_sum3A_307 = arith.constant dense<0> : vector<4xi32>
    %reduce_sum3A_308 = vector.multi_reduction <add>, %convert_element_type3A_306, %reduce_sum3A_307 [1] : vector<4x512xi32> to vector<4xi32>
    %broadcast_in_dim3A_309 = vector.shape_cast %reduce_sum3A_308 : vector<4xi32> to vector<4x1xi32>
    %ge3A_310 = arith.constant 128 : i32
    %ge3A_311 = vector.broadcast %ge3A_310 : i32 to vector<4x1xi32>
    %ge3A_312 = arith.cmpi sge, %broadcast_in_dim3A_309, %ge3A_311 : vector<4x1xi32>
    %select_n3A_313 = arith.select %ge3A_312, %or3A_303, %select_n3A_300 : vector<4x1xi1>, vector<4x1xi32>
    %or3A_314 = arith.constant 256 : i32
    %or3A_315 = vector.broadcast %or3A_314 : i32 to vector<4x1xi32>
    %or3A_316 = arith.ori %select_n3A_313, %or3A_315 : vector<4x1xi32>
    %ge3A_317 = vector.broadcast %or3A_316 : vector<4x1xi32> to vector<4x512xi32>
    %ge3A_318 = arith.cmpi sge, %xor3A, %ge3A_317 : vector<4x512xi32>
    %convert_element_type3A_319 = arith.extui %ge3A_318 : vector<4x512xi1> to vector<4x512xi32>
    %reduce_sum3A_320 = arith.constant dense<0> : vector<4xi32>
    %reduce_sum3A_321 = vector.multi_reduction <add>, %convert_element_type3A_319, %reduce_sum3A_320 [1] : vector<4x512xi32> to vector<4xi32>
    %broadcast_in_dim3A_322 = vector.shape_cast %reduce_sum3A_321 : vector<4xi32> to vector<4x1xi32>
    %ge3A_323 = arith.constant 128 : i32
    %ge3A_324 = vector.broadcast %ge3A_323 : i32 to vector<4x1xi32>
    %ge3A_325 = arith.cmpi sge, %broadcast_in_dim3A_322, %ge3A_324 : vector<4x1xi32>
    %select_n3A_326 = arith.select %ge3A_325, %or3A_316, %select_n3A_313 : vector<4x1xi1>, vector<4x1xi32>
    %or3A_327 = arith.constant 128 : i32
    %or3A_328 = vector.broadcast %or3A_327 : i32 to vector<4x1xi32>
    %or3A_329 = arith.ori %select_n3A_326, %or3A_328 : vector<4x1xi32>
    %ge3A_330 = vector.broadcast %or3A_329 : vector<4x1xi32> to vector<4x512xi32>
    %ge3A_331 = arith.cmpi sge, %xor3A, %ge3A_330 : vector<4x512xi32>
    %convert_element_type3A_332 = arith.extui %ge3A_331 : vector<4x512xi1> to vector<4x512xi32>
    %reduce_sum3A_333 = arith.constant dense<0> : vector<4xi32>
    %reduce_sum3A_334 = vector.multi_reduction <add>, %convert_element_type3A_332, %reduce_sum3A_333 [1] : vector<4x512xi32> to vector<4xi32>
    %broadcast_in_dim3A_335 = vector.shape_cast %reduce_sum3A_334 : vector<4xi32> to vector<4x1xi32>
    %ge3A_336 = arith.constant 128 : i32
    %ge3A_337 = vector.broadcast %ge3A_336 : i32 to vector<4x1xi32>
    %ge3A_338 = arith.cmpi sge, %broadcast_in_dim3A_335, %ge3A_337 : vector<4x1xi32>
    %select_n3A_339 = arith.select %ge3A_338, %or3A_329, %select_n3A_326 : vector<4x1xi1>, vector<4x1xi32>
    %or3A_340 = arith.constant 64 : i32
    %or3A_341 = vector.broadcast %or3A_340 : i32 to vector<4x1xi32>
    %or3A_342 = arith.ori %select_n3A_339, %or3A_341 : vector<4x1xi32>
    %ge3A_343 = vector.broadcast %or3A_342 : vector<4x1xi32> to vector<4x512xi32>
    %ge3A_344 = arith.cmpi sge, %xor3A, %ge3A_343 : vector<4x512xi32>
    %convert_element_type3A_345 = arith.extui %ge3A_344 : vector<4x512xi1> to vector<4x512xi32>
    %reduce_sum3A_346 = arith.constant dense<0> : vector<4xi32>
    %reduce_sum3A_347 = vector.multi_reduction <add>, %convert_element_type3A_345, %reduce_sum3A_346 [1] : vector<4x512xi32> to vector<4xi32>
    %broadcast_in_dim3A_348 = vector.shape_cast %reduce_sum3A_347 : vector<4xi32> to vector<4x1xi32>
    %ge3A_349 = arith.constant 128 : i32
    %ge3A_350 = vector.broadcast %ge3A_349 : i32 to vector<4x1xi32>
    %ge3A_351 = arith.cmpi sge, %broadcast_in_dim3A_348, %ge3A_350 : vector<4x1xi32>
    %select_n3A_352 = arith.select %ge3A_351, %or3A_342, %select_n3A_339 : vector<4x1xi1>, vector<4x1xi32>
    %or3A_353 = arith.constant 32 : i32
    %or3A_354 = vector.broadcast %or3A_353 : i32 to vector<4x1xi32>
    %or3A_355 = arith.ori %select_n3A_352, %or3A_354 : vector<4x1xi32>
    %ge3A_356 = vector.broadcast %or3A_355 : vector<4x1xi32> to vector<4x512xi32>
    %ge3A_357 = arith.cmpi sge, %xor3A, %ge3A_356 : vector<4x512xi32>
    %convert_element_type3A_358 = arith.extui %ge3A_357 : vector<4x512xi1> to vector<4x512xi32>
    %reduce_sum3A_359 = arith.constant dense<0> : vector<4xi32>
    %reduce_sum3A_360 = vector.multi_reduction <add>, %convert_element_type3A_358, %reduce_sum3A_359 [1] : vector<4x512xi32> to vector<4xi32>
    %broadcast_in_dim3A_361 = vector.shape_cast %reduce_sum3A_360 : vector<4xi32> to vector<4x1xi32>
    %ge3A_362 = arith.constant 128 : i32
    %ge3A_363 = vector.broadcast %ge3A_362 : i32 to vector<4x1xi32>
    %ge3A_364 = arith.cmpi sge, %broadcast_in_dim3A_361, %ge3A_363 : vector<4x1xi32>
    %select_n3A_365 = arith.select %ge3A_364, %or3A_355, %select_n3A_352 : vector<4x1xi1>, vector<4x1xi32>
    %or3A_366 = arith.constant 16 : i32
    %or3A_367 = vector.broadcast %or3A_366 : i32 to vector<4x1xi32>
    %or3A_368 = arith.ori %select_n3A_365, %or3A_367 : vector<4x1xi32>
    %ge3A_369 = vector.broadcast %or3A_368 : vector<4x1xi32> to vector<4x512xi32>
    %ge3A_370 = arith.cmpi sge, %xor3A, %ge3A_369 : vector<4x512xi32>
    %convert_element_type3A_371 = arith.extui %ge3A_370 : vector<4x512xi1> to vector<4x512xi32>
    %reduce_sum3A_372 = arith.constant dense<0> : vector<4xi32>
    %reduce_sum3A_373 = vector.multi_reduction <add>, %convert_element_type3A_371, %reduce_sum3A_372 [1] : vector<4x512xi32> to vector<4xi32>
    %broadcast_in_dim3A_374 = vector.shape_cast %reduce_sum3A_373 : vector<4xi32> to vector<4x1xi32>
    %ge3A_375 = arith.constant 128 : i32
    %ge3A_376 = vector.broadcast %ge3A_375 : i32 to vector<4x1xi32>
    %ge3A_377 = arith.cmpi sge, %broadcast_in_dim3A_374, %ge3A_376 : vector<4x1xi32>
    %select_n3A_378 = arith.select %ge3A_377, %or3A_368, %select_n3A_365 : vector<4x1xi1>, vector<4x1xi32>
    %or3A_379 = arith.constant 8 : i32
    %or3A_380 = vector.broadcast %or3A_379 : i32 to vector<4x1xi32>
    %or3A_381 = arith.ori %select_n3A_378, %or3A_380 : vector<4x1xi32>
    %ge3A_382 = vector.broadcast %or3A_381 : vector<4x1xi32> to vector<4x512xi32>
    %ge3A_383 = arith.cmpi sge, %xor3A, %ge3A_382 : vector<4x512xi32>
    %convert_element_type3A_384 = arith.extui %ge3A_383 : vector<4x512xi1> to vector<4x512xi32>
    %reduce_sum3A_385 = arith.constant dense<0> : vector<4xi32>
    %reduce_sum3A_386 = vector.multi_reduction <add>, %convert_element_type3A_384, %reduce_sum3A_385 [1] : vector<4x512xi32> to vector<4xi32>
    %broadcast_in_dim3A_387 = vector.shape_cast %reduce_sum3A_386 : vector<4xi32> to vector<4x1xi32>
    %ge3A_388 = arith.constant 128 : i32
    %ge3A_389 = vector.broadcast %ge3A_388 : i32 to vector<4x1xi32>
    %ge3A_390 = arith.cmpi sge, %broadcast_in_dim3A_387, %ge3A_389 : vector<4x1xi32>
    %select_n3A_391 = arith.select %ge3A_390, %or3A_381, %select_n3A_378 : vector<4x1xi1>, vector<4x1xi32>
    %or3A_392 = arith.constant 4 : i32
    %or3A_393 = vector.broadcast %or3A_392 : i32 to vector<4x1xi32>
    %or3A_394 = arith.ori %select_n3A_391, %or3A_393 : vector<4x1xi32>
    %ge3A_395 = vector.broadcast %or3A_394 : vector<4x1xi32> to vector<4x512xi32>
    %ge3A_396 = arith.cmpi sge, %xor3A, %ge3A_395 : vector<4x512xi32>
    %convert_element_type3A_397 = arith.extui %ge3A_396 : vector<4x512xi1> to vector<4x512xi32>
    %reduce_sum3A_398 = arith.constant dense<0> : vector<4xi32>
    %reduce_sum3A_399 = vector.multi_reduction <add>, %convert_element_type3A_397, %reduce_sum3A_398 [1] : vector<4x512xi32> to vector<4xi32>
    %broadcast_in_dim3A_400 = vector.shape_cast %reduce_sum3A_399 : vector<4xi32> to vector<4x1xi32>
    %ge3A_401 = arith.constant 128 : i32
    %ge3A_402 = vector.broadcast %ge3A_401 : i32 to vector<4x1xi32>
    %ge3A_403 = arith.cmpi sge, %broadcast_in_dim3A_400, %ge3A_402 : vector<4x1xi32>
    %select_n3A_404 = arith.select %ge3A_403, %or3A_394, %select_n3A_391 : vector<4x1xi1>, vector<4x1xi32>
    %or3A_405 = arith.constant 2 : i32
    %or3A_406 = vector.broadcast %or3A_405 : i32 to vector<4x1xi32>
    %or3A_407 = arith.ori %select_n3A_404, %or3A_406 : vector<4x1xi32>
    %ge3A_408 = vector.broadcast %or3A_407 : vector<4x1xi32> to vector<4x512xi32>
    %ge3A_409 = arith.cmpi sge, %xor3A, %ge3A_408 : vector<4x512xi32>
    %convert_element_type3A_410 = arith.extui %ge3A_409 : vector<4x512xi1> to vector<4x512xi32>
    %reduce_sum3A_411 = arith.constant dense<0> : vector<4xi32>
    %reduce_sum3A_412 = vector.multi_reduction <add>, %convert_element_type3A_410, %reduce_sum3A_411 [1] : vector<4x512xi32> to vector<4xi32>
    %broadcast_in_dim3A_413 = vector.shape_cast %reduce_sum3A_412 : vector<4xi32> to vector<4x1xi32>
    %ge3A_414 = arith.constant 128 : i32
    %ge3A_415 = vector.broadcast %ge3A_414 : i32 to vector<4x1xi32>
    %ge3A_416 = arith.cmpi sge, %broadcast_in_dim3A_413, %ge3A_415 : vector<4x1xi32>
    %select_n3A_417 = arith.select %ge3A_416, %or3A_407, %select_n3A_404 : vector<4x1xi1>, vector<4x1xi32>
    %or3A_418 = arith.constant 1 : i32
    %or3A_419 = vector.broadcast %or3A_418 : i32 to vector<4x1xi32>
    %or3A_420 = arith.ori %select_n3A_417, %or3A_419 : vector<4x1xi32>
    %ge3A_421 = vector.broadcast %or3A_420 : vector<4x1xi32> to vector<4x512xi32>
    %ge3A_422 = arith.cmpi sge, %xor3A, %ge3A_421 : vector<4x512xi32>
    %convert_element_type3A_423 = arith.extui %ge3A_422 : vector<4x512xi1> to vector<4x512xi32>
    %reduce_sum3A_424 = arith.constant dense<0> : vector<4xi32>
    %reduce_sum3A_425 = vector.multi_reduction <add>, %convert_element_type3A_423, %reduce_sum3A_424 [1] : vector<4x512xi32> to vector<4xi32>
    %broadcast_in_dim3A_426 = vector.shape_cast %reduce_sum3A_425 : vector<4xi32> to vector<4x1xi32>
    %ge3A_427 = arith.constant 128 : i32
    %ge3A_428 = vector.broadcast %ge3A_427 : i32 to vector<4x1xi32>
    %ge3A_429 = arith.cmpi sge, %broadcast_in_dim3A_426, %ge3A_428 : vector<4x1xi32>
    %select_n3A_430 = arith.select %ge3A_429, %or3A_420, %select_n3A_417 : vector<4x1xi1>, vector<4x1xi32>
    %gt3A = vector.broadcast %select_n3A_430 : vector<4x1xi32> to vector<4x512xi32>
    %gt3A_431 = arith.cmpi sgt, %xor3A, %gt3A : vector<4x512xi32>
    %eq3A = vector.broadcast %select_n3A_430 : vector<4x1xi32> to vector<4x512xi32>
    %eq3A_432 = arith.cmpi eq, %xor3A, %eq3A : vector<4x512xi32>
    %convert_element_type3A_433 = arith.extui %gt3A_431 : vector<4x512xi1> to vector<4x512xi32>
    %reduce_sum3A_434 = arith.constant dense<0> : vector<4xi32>
    %reduce_sum3A_435 = vector.multi_reduction <add>, %convert_element_type3A_433, %reduce_sum3A_434 [1] : vector<4x512xi32> to vector<4xi32>
    %broadcast_in_dim3A_436 = vector.shape_cast %reduce_sum3A_435 : vector<4xi32> to vector<4x1xi32>
    %sub3A = arith.constant 128 : i32
    %sub3A_437 = vector.broadcast %sub3A : i32 to vector<4x1xi32>
    %sub3A_438 = arith.subi %sub3A_437, %broadcast_in_dim3A_436 : vector<4x1xi32>
    %convert_element_type3A_439 = arith.sitofp %sub3A_438 : vector<4x1xi32> to vector<4x1xf32>
    %iota3A = tpu.iota {dimensions = array<i32: 0>} : vector<512x512xi32>
    %iota3A_440 = tpu.iota {dimensions = array<i32: 1>} : vector<512x512xi32>
    %le3A = arith.cmpi sle, %iota3A, %iota3A_440 : vector<512x512xi32>
    %convert_element_type3A_441 = arith.extui %le3A : vector<512x512xi1> to vector<512x512xi32>
    %convert_element_type3A_442 = arith.sitofp %convert_element_type3A_441 : vector<512x512xi32> to vector<512x512xf32>
    %convert_element_type3A_443 = arith.extui %eq3A_432 : vector<4x512xi1> to vector<4x512xi32>
    %convert_element_type3A_444 = arith.sitofp %convert_element_type3A_443 : vector<4x512xi32> to vector<4x512xf32>
    %dot_general3A_445 = arith.constant dense<0.000000e+00> : vector<4x512xf32>
    %dot_general3A_446 = tpu.matmul %convert_element_type3A_444, %convert_element_type3A_442, %dot_general3A_445 {dimension_numbers = #tpu.dot_dimension_numbers<[1], [0], [0], [1], [0, 0, 1, 1], [], []>, transpose_lhs_hint = false} : vector<4x512xf32>, vector<512x512xf32>, vector<4x512xf32> -> vector<4x512xf32>
    %le3A_447 = vector.broadcast %convert_element_type3A_439 : vector<4x1xf32> to vector<4x512xf32>
    %le3A_448 = arith.cmpf ole, %dot_general3A_446, %le3A_447 : vector<4x512xf32>
    %and3A_449 = arith.andi %eq3A_432, %le3A_448 : vector<4x512xi1>
    %or3A_450 = arith.ori %gt3A_431, %and3A_449 : vector<4x512xi1>
    %convert_element_type3A_451 = arith.extui %or3A_450 : vector<4x512xi1> to vector<4x512xi32>
    %convert_element_type3A_452 = arith.sitofp %convert_element_type3A_451 : vector<4x512xi32> to vector<4x512xf32>
    %dot_general3A_453 = arith.constant dense<0.000000e+00> : vector<4x512xf32>
    %dot_general3A_454 = tpu.matmul %convert_element_type3A_452, %convert_element_type3A_442, %dot_general3A_453 {dimension_numbers = #tpu.dot_dimension_numbers<[1], [0], [0], [1], [0, 0, 1, 1], [], []>, transpose_lhs_hint = false} : vector<4x512xf32>, vector<512x512xf32>, vector<4x512xf32> -> vector<4x512xf32>
    %eq3A_455 = arith.cmpi eq, %iota3A, %iota3A_440 : vector<512x512xi32>
    %convert_element_type3A_456 = arith.extui %eq3A_455 : vector<512x512xi1> to vector<512x512xi32>
    %convert_element_type3A_457 = arith.sitofp %convert_element_type3A_456 : vector<512x512xi32> to vector<512x512xf32>
    %dot_general3A_458 = arith.constant dense<0.000000e+00> : vector<512x4xf32>
    %dot_general3A_459 = tpu.matmul %convert_element_type3A_457, %convert_element_type3A_452, %dot_general3A_458 {dimension_numbers = #tpu.dot_dimension_numbers<[1], [1], [0], [0], [0, 0, 1, 0], [], []>, transpose_lhs_hint = false} : vector<512x512xf32>, vector<4x512xf32>, vector<512x4xf32> -> vector<512x4xf32>
    %dot_general3A_460 = arith.constant dense<0.000000e+00> : vector<512x4xf32>
    %dot_general3A_461 = tpu.matmul %convert_element_type3A_457, %dot_general3A_454, %dot_general3A_460 {dimension_numbers = #tpu.dot_dimension_numbers<[1], [1], [0], [0], [0, 0, 1, 0], [], []>, transpose_lhs_hint = false} : vector<512x512xf32>, vector<4x512xf32>, vector<512x4xf32> -> vector<512x4xf32>
    %iota3A_462 = tpu.iota {dimensions = array<i32: 1>} : vector<512x128xi32>
    %iota3A_463 = tpu.iota {dimensions = array<i32: 0>} : vector<512x128xi32>
    %slice3A = vector.extract_strided_slice %dot_general3A_461 {offsets = [0, 0], sizes = [512, 1], strides = [1, 1]} : vector<512x4xf32> to vector<512x1xf32>
    %sub3A_464 = arith.constant 1.000000e+00 : f32
    %sub3A_465 = vector.broadcast %sub3A_464 : f32 to vector<512x1xf32>
    %sub3A_466 = arith.subf %slice3A, %sub3A_465 : vector<512x1xf32>
    %convert_element_type3A_467 = arith.fptosi %sub3A_466 : vector<512x1xf32> to vector<512x1xi32>
    %eq3A_468 = vector.broadcast %convert_element_type3A_467 : vector<512x1xi32> to vector<512x128xi32>
    %eq3A_469 = arith.cmpi eq, %eq3A_468, %iota3A_462 : vector<512x128xi32>
    %slice3A_470 = vector.extract_strided_slice %dot_general3A_459 {offsets = [0, 0], sizes = [512, 1], strides = [1, 1]} : vector<512x4xf32> to vector<512x1xf32>
    %gt3A_471 = arith.constant 5.000000e-01 : f32
    %gt3A_472 = vector.broadcast %gt3A_471 : f32 to vector<512x1xf32>
    %gt3A_473 = arith.cmpf ogt, %slice3A_470, %gt3A_472 : vector<512x1xf32>
    %and3A_474 = vector.broadcast %gt3A_473 : vector<512x1xi1> to vector<512x128xi1>
    %and3A_475 = arith.andi %eq3A_469, %and3A_474 : vector<512x128xi1>
    %jit3A = arith.constant 1.000000e+00 : f32
    %jit3A_476 = arith.constant 0.000000e+00 : f32
    %broadcast_in_dim3A_477 = vector.broadcast %jit3A : f32 to vector<512x128xf32>
    %broadcast_in_dim3A_478 = vector.broadcast %jit3A_476 : f32 to vector<512x128xf32>
    %select_n3A_479 = arith.select %and3A_475, %broadcast_in_dim3A_477, %broadcast_in_dim3A_478 : vector<512x128xi1>, vector<512x128xf32>
    %get3A_480 = arith.constant 0 : index
    %get3A_481 = arith.constant 0 : index
    %get3A_482 = vector.load %arg4[%get3A_480, %get3A_481] : memref<2048x512xf32, #tpu.memory_space<vmem>>, vector<2048x512xf32>
    %dot_general3A_483 = arith.constant dense<0.000000e+00> : vector<2048x128xf32>
    %dot_general3A_484 = tpu.matmul %get3A_482, %select_n3A_479, %dot_general3A_483 {dimension_numbers = #tpu.dot_dimension_numbers<[1], [0], [0], [1], [0, 0, 1, 1], [], []>, transpose_lhs_hint = false} : vector<2048x512xf32>, vector<512x128xf32>, vector<2048x128xf32> -> vector<2048x128xf32>
    %swap3A = arith.constant 0 : index
    %swap3A_485 = arith.constant 0 : index
    %swap3A_486 = arith.constant 0 : index
    %swap3A_487 = vector.load %arg5[%swap3A, %swap3A_485, %swap3A_486] : memref<4x2048x128xf32, #tpu.memory_space<vmem>>, vector<1x2048x128xf32>
    %swap3A_488 = vector.shape_cast %swap3A_487 : vector<1x2048x128xf32> to vector<2048x128xf32>
    %swap3A_489 = vector.shape_cast %dot_general3A_484 : vector<2048x128xf32> to vector<1x2048x128xf32>
    tpu.vector_store %arg5[%swap3A, %swap3A_485, %swap3A_486], %swap3A_489 {strides = array<i32>} : memref<4x2048x128xf32, #tpu.memory_space<vmem>>, vector<1x2048x128xf32>,
    %jit3A_490 = arith.constant 0 : i32
    %broadcast_in_dim3A_491 = vector.broadcast %jit3A_490 : i32 to vector<512x128xi32>
    %select_n3A_492 = arith.select %and3A_475, %iota3A_463, %broadcast_in_dim3A_491 : vector<512x128xi1>, vector<512x128xi32>
    %reduce_sum3A_493 = arith.constant dense<0> : vector<128xi32>
    %reduce_sum3A_494 = vector.multi_reduction <add>, %select_n3A_492, %reduce_sum3A_493 [0] : vector<512x128xi32> to vector<128xi32>
    %broadcast_in_dim3A_495 = vector.shape_cast %reduce_sum3A_494 : vector<128xi32> to vector<1x128xi32>
    %swap3A_496 = arith.constant 0 : index
    %swap3A_497 = arith.constant 0 : index
    %swap3A_498 = arith.constant 0 : index
    %swap3A_499 = vector.load %arg6[%swap3A_496, %swap3A_497, %swap3A_498] : memref<4x1x128xi32, #tpu.memory_space<vmem>>, vector<1x1x128xi32>
    %swap3A_500 = vector.shape_cast %swap3A_499 : vector<1x1x128xi32> to vector<1x128xi32>
    %swap3A_501 = vector.shape_cast %broadcast_in_dim3A_495 : vector<1x128xi32> to vector<1x1x128xi32>
    tpu.vector_store %arg6[%swap3A_496, %swap3A_497, %swap3A_498], %swap3A_501 {strides = array<i32>} : memref<4x1x128xi32, #tpu.memory_space<vmem>>, vector<1x1x128xi32>,
    %slice3A_502 = vector.extract_strided_slice %dot_general3A_461 {offsets = [0, 1], sizes = [512, 1], strides = [1, 1]} : vector<512x4xf32> to vector<512x1xf32>
    %sub3A_503 = arith.constant 1.000000e+00 : f32
    %sub3A_504 = vector.broadcast %sub3A_503 : f32 to vector<512x1xf32>
    %sub3A_505 = arith.subf %slice3A_502, %sub3A_504 : vector<512x1xf32>
    %convert_element_type3A_506 = arith.fptosi %sub3A_505 : vector<512x1xf32> to vector<512x1xi32>
    %eq3A_507 = vector.broadcast %convert_element_type3A_506 : vector<512x1xi32> to vector<512x128xi32>
    %eq3A_508 = arith.cmpi eq, %eq3A_507, %iota3A_462 : vector<512x128xi32>
    %slice3A_509 = vector.extract_strided_slice %dot_general3A_459 {offsets = [0, 1], sizes = [512, 1], strides = [1, 1]} : vector<512x4xf32> to vector<512x1xf32>
    %gt3A_510 = arith.constant 5.000000e-01 : f32
    %gt3A_511 = vector.broadcast %gt3A_510 : f32 to vector<512x1xf32>
    %gt3A_512 = arith.cmpf ogt, %slice3A_509, %gt3A_511 : vector<512x1xf32>
    %and3A_513 = vector.broadcast %gt3A_512 : vector<512x1xi1> to vector<512x128xi1>
    %and3A_514 = arith.andi %eq3A_508, %and3A_513 : vector<512x128xi1>
    %jit3A_515 = arith.constant 1.000000e+00 : f32
    %jit3A_516 = arith.constant 0.000000e+00 : f32
    %broadcast_in_dim3A_517 = vector.broadcast %jit3A_515 : f32 to vector<512x128xf32>
    %broadcast_in_dim3A_518 = vector.broadcast %jit3A_516 : f32 to vector<512x128xf32>
    %select_n3A_519 = arith.select %and3A_514, %broadcast_in_dim3A_517, %broadcast_in_dim3A_518 : vector<512x128xi1>, vector<512x128xf32>
    %get3A_520 = arith.constant 0 : index
    %get3A_521 = arith.constant 0 : index
    %get3A_522 = vector.load %arg4[%get3A_520, %get3A_521] : memref<2048x512xf32, #tpu.memory_space<vmem>>, vector<2048x512xf32>
    %dot_general3A_523 = arith.constant dense<0.000000e+00> : vector<2048x128xf32>
    %dot_general3A_524 = tpu.matmul %get3A_522, %select_n3A_519, %dot_general3A_523 {dimension_numbers = #tpu.dot_dimension_numbers<[1], [0], [0], [1], [0, 0, 1, 1], [], []>, transpose_lhs_hint = false} : vector<2048x512xf32>, vector<512x128xf32>, vector<2048x128xf32> -> vector<2048x128xf32>
    %swap3A_525 = arith.constant 1 : index
    %swap3A_526 = arith.constant 0 : index
    %swap3A_527 = arith.constant 0 : index
    %swap3A_528 = vector.load %arg5[%swap3A_525, %swap3A_526, %swap3A_527] : memref<4x2048x128xf32, #tpu.memory_space<vmem>>, vector<1x2048x128xf32>
    %swap3A_529 = vector.shape_cast %swap3A_528 : vector<1x2048x128xf32> to vector<2048x128xf32>
    %swap3A_530 = vector.shape_cast %dot_general3A_524 : vector<2048x128xf32> to vector<1x2048x128xf32>
    tpu.vector_store %arg5[%swap3A_525, %swap3A_526, %swap3A_527], %swap3A_530 {strides = array<i32>} : memref<4x2048x128xf32, #tpu.memory_space<vmem>>, vector<1x2048x128xf32>,
    %jit3A_531 = arith.constant 0 : i32
    %broadcast_in_dim3A_532 = vector.broadcast %jit3A_531 : i32 to vector<512x128xi32>
    %select_n3A_533 = arith.select %and3A_514, %iota3A_463, %broadcast_in_dim3A_532 : vector<512x128xi1>, vector<512x128xi32>
    %reduce_sum3A_534 = arith.constant dense<0> : vector<128xi32>
    %reduce_sum3A_535 = vector.multi_reduction <add>, %select_n3A_533, %reduce_sum3A_534 [0] : vector<512x128xi32> to vector<128xi32>
    %broadcast_in_dim3A_536 = vector.shape_cast %reduce_sum3A_535 : vector<128xi32> to vector<1x128xi32>
    %swap3A_537 = arith.constant 1 : index
    %swap3A_538 = arith.constant 0 : index
    %swap3A_539 = arith.constant 0 : index
    %swap3A_540 = vector.load %arg6[%swap3A_537, %swap3A_538, %swap3A_539] : memref<4x1x128xi32, #tpu.memory_space<vmem>>, vector<1x1x128xi32>
    %swap3A_541 = vector.shape_cast %swap3A_540 : vector<1x1x128xi32> to vector<1x128xi32>
    %swap3A_542 = vector.shape_cast %broadcast_in_dim3A_536 : vector<1x128xi32> to vector<1x1x128xi32>
    tpu.vector_store %arg6[%swap3A_537, %swap3A_538, %swap3A_539], %swap3A_542 {strides = array<i32>} : memref<4x1x128xi32, #tpu.memory_space<vmem>>, vector<1x1x128xi32>,
    %slice3A_543 = vector.extract_strided_slice %dot_general3A_461 {offsets = [0, 2], sizes = [512, 1], strides = [1, 1]} : vector<512x4xf32> to vector<512x1xf32>
    %sub3A_544 = arith.constant 1.000000e+00 : f32
    %sub3A_545 = vector.broadcast %sub3A_544 : f32 to vector<512x1xf32>
    %sub3A_546 = arith.subf %slice3A_543, %sub3A_545 : vector<512x1xf32>
    %convert_element_type3A_547 = arith.fptosi %sub3A_546 : vector<512x1xf32> to vector<512x1xi32>
    %eq3A_548 = vector.broadcast %convert_element_type3A_547 : vector<512x1xi32> to vector<512x128xi32>
    %eq3A_549 = arith.cmpi eq, %eq3A_548, %iota3A_462 : vector<512x128xi32>
    %slice3A_550 = vector.extract_strided_slice %dot_general3A_459 {offsets = [0, 2], sizes = [512, 1], strides = [1, 1]} : vector<512x4xf32> to vector<512x1xf32>
    %gt3A_551 = arith.constant 5.000000e-01 : f32
    %gt3A_552 = vector.broadcast %gt3A_551 : f32 to vector<512x1xf32>
    %gt3A_553 = arith.cmpf ogt, %slice3A_550, %gt3A_552 : vector<512x1xf32>
    %and3A_554 = vector.broadcast %gt3A_553 : vector<512x1xi1> to vector<512x128xi1>
    %and3A_555 = arith.andi %eq3A_549, %and3A_554 : vector<512x128xi1>
    %jit3A_556 = arith.constant 1.000000e+00 : f32
    %jit3A_557 = arith.constant 0.000000e+00 : f32
    %broadcast_in_dim3A_558 = vector.broadcast %jit3A_556 : f32 to vector<512x128xf32>
    %broadcast_in_dim3A_559 = vector.broadcast %jit3A_557 : f32 to vector<512x128xf32>
    %select_n3A_560 = arith.select %and3A_555, %broadcast_in_dim3A_558, %broadcast_in_dim3A_559 : vector<512x128xi1>, vector<512x128xf32>
    %get3A_561 = arith.constant 0 : index
    %get3A_562 = arith.constant 0 : index
    %get3A_563 = vector.load %arg4[%get3A_561, %get3A_562] : memref<2048x512xf32, #tpu.memory_space<vmem>>, vector<2048x512xf32>
    %dot_general3A_564 = arith.constant dense<0.000000e+00> : vector<2048x128xf32>
    %dot_general3A_565 = tpu.matmul %get3A_563, %select_n3A_560, %dot_general3A_564 {dimension_numbers = #tpu.dot_dimension_numbers<[1], [0], [0], [1], [0, 0, 1, 1], [], []>, transpose_lhs_hint = false} : vector<2048x512xf32>, vector<512x128xf32>, vector<2048x128xf32> -> vector<2048x128xf32>
    %swap3A_566 = arith.constant 2 : index
    %swap3A_567 = arith.constant 0 : index
    %swap3A_568 = arith.constant 0 : index
    %swap3A_569 = vector.load %arg5[%swap3A_566, %swap3A_567, %swap3A_568] : memref<4x2048x128xf32, #tpu.memory_space<vmem>>, vector<1x2048x128xf32>
    %swap3A_570 = vector.shape_cast %swap3A_569 : vector<1x2048x128xf32> to vector<2048x128xf32>
    %swap3A_571 = vector.shape_cast %dot_general3A_565 : vector<2048x128xf32> to vector<1x2048x128xf32>
    tpu.vector_store %arg5[%swap3A_566, %swap3A_567, %swap3A_568], %swap3A_571 {strides = array<i32>} : memref<4x2048x128xf32, #tpu.memory_space<vmem>>, vector<1x2048x128xf32>,
    %jit3A_572 = arith.constant 0 : i32
    %broadcast_in_dim3A_573 = vector.broadcast %jit3A_572 : i32 to vector<512x128xi32>
    %select_n3A_574 = arith.select %and3A_555, %iota3A_463, %broadcast_in_dim3A_573 : vector<512x128xi1>, vector<512x128xi32>
    %reduce_sum3A_575 = arith.constant dense<0> : vector<128xi32>
    %reduce_sum3A_576 = vector.multi_reduction <add>, %select_n3A_574, %reduce_sum3A_575 [0] : vector<512x128xi32> to vector<128xi32>
    %broadcast_in_dim3A_577 = vector.shape_cast %reduce_sum3A_576 : vector<128xi32> to vector<1x128xi32>
    %swap3A_578 = arith.constant 2 : index
    %swap3A_579 = arith.constant 0 : index
    %swap3A_580 = arith.constant 0 : index
    %swap3A_581 = vector.load %arg6[%swap3A_578, %swap3A_579, %swap3A_580] : memref<4x1x128xi32, #tpu.memory_space<vmem>>, vector<1x1x128xi32>
    %swap3A_582 = vector.shape_cast %swap3A_581 : vector<1x1x128xi32> to vector<1x128xi32>
    %swap3A_583 = vector.shape_cast %broadcast_in_dim3A_577 : vector<1x128xi32> to vector<1x1x128xi32>
    tpu.vector_store %arg6[%swap3A_578, %swap3A_579, %swap3A_580], %swap3A_583 {strides = array<i32>} : memref<4x1x128xi32, #tpu.memory_space<vmem>>, vector<1x1x128xi32>,
    %slice3A_584 = vector.extract_strided_slice %dot_general3A_461 {offsets = [0, 3], sizes = [512, 1], strides = [1, 1]} : vector<512x4xf32> to vector<512x1xf32>
    %sub3A_585 = arith.constant 1.000000e+00 : f32
    %sub3A_586 = vector.broadcast %sub3A_585 : f32 to vector<512x1xf32>
    %sub3A_587 = arith.subf %slice3A_584, %sub3A_586 : vector<512x1xf32>
    %convert_element_type3A_588 = arith.fptosi %sub3A_587 : vector<512x1xf32> to vector<512x1xi32>
    %eq3A_589 = vector.broadcast %convert_element_type3A_588 : vector<512x1xi32> to vector<512x128xi32>
    %eq3A_590 = arith.cmpi eq, %eq3A_589, %iota3A_462 : vector<512x128xi32>
    %slice3A_591 = vector.extract_strided_slice %dot_general3A_459 {offsets = [0, 3], sizes = [512, 1], strides = [1, 1]} : vector<512x4xf32> to vector<512x1xf32>
    %gt3A_592 = arith.constant 5.000000e-01 : f32
    %gt3A_593 = vector.broadcast %gt3A_592 : f32 to vector<512x1xf32>
    %gt3A_594 = arith.cmpf ogt, %slice3A_591, %gt3A_593 : vector<512x1xf32>
    %and3A_595 = vector.broadcast %gt3A_594 : vector<512x1xi1> to vector<512x128xi1>
    %and3A_596 = arith.andi %eq3A_590, %and3A_595 : vector<512x128xi1>
    %jit3A_597 = arith.constant 1.000000e+00 : f32
    %jit3A_598 = arith.constant 0.000000e+00 : f32
    %broadcast_in_dim3A_599 = vector.broadcast %jit3A_597 : f32 to vector<512x128xf32>
    %broadcast_in_dim3A_600 = vector.broadcast %jit3A_598 : f32 to vector<512x128xf32>
    %select_n3A_601 = arith.select %and3A_596, %broadcast_in_dim3A_599, %broadcast_in_dim3A_600 : vector<512x128xi1>, vector<512x128xf32>
    %get3A_602 = arith.constant 0 : index
    %get3A_603 = arith.constant 0 : index
    %get3A_604 = vector.load %arg4[%get3A_602, %get3A_603] : memref<2048x512xf32, #tpu.memory_space<vmem>>, vector<2048x512xf32>
    %dot_general3A_605 = arith.constant dense<0.000000e+00> : vector<2048x128xf32>
    %dot_general3A_606 = tpu.matmul %get3A_604, %select_n3A_601, %dot_general3A_605 {dimension_numbers = #tpu.dot_dimension_numbers<[1], [0], [0], [1], [0, 0, 1, 1], [], []>, transpose_lhs_hint = false} : vector<2048x512xf32>, vector<512x128xf32>, vector<2048x128xf32> -> vector<2048x128xf32>
    %swap3A_607 = arith.constant 3 : index
    %swap3A_608 = arith.constant 0 : index
    %swap3A_609 = arith.constant 0 : index
    %swap3A_610 = vector.load %arg5[%swap3A_607, %swap3A_608, %swap3A_609] : memref<4x2048x128xf32, #tpu.memory_space<vmem>>, vector<1x2048x128xf32>
    %swap3A_611 = vector.shape_cast %swap3A_610 : vector<1x2048x128xf32> to vector<2048x128xf32>
    %swap3A_612 = vector.shape_cast %dot_general3A_606 : vector<2048x128xf32> to vector<1x2048x128xf32>
    tpu.vector_store %arg5[%swap3A_607, %swap3A_608, %swap3A_609], %swap3A_612 {strides = array<i32>} : memref<4x2048x128xf32, #tpu.memory_space<vmem>>, vector<1x2048x128xf32>,
    %jit3A_613 = arith.constant 0 : i32
    %broadcast_in_dim3A_614 = vector.broadcast %jit3A_613 : i32 to vector<512x128xi32>
    %select_n3A_615 = arith.select %and3A_596, %iota3A_463, %broadcast_in_dim3A_614 : vector<512x128xi1>, vector<512x128xi32>
    %reduce_sum3A_616 = arith.constant dense<0> : vector<128xi32>
    %reduce_sum3A_617 = vector.multi_reduction <add>, %select_n3A_615, %reduce_sum3A_616 [0] : vector<512x128xi32> to vector<128xi32>
    %broadcast_in_dim3A_618 = vector.shape_cast %reduce_sum3A_617 : vector<128xi32> to vector<1x128xi32>
    %swap3A_619 = arith.constant 3 : index
    %swap3A_620 = arith.constant 0 : index
    %swap3A_621 = arith.constant 0 : index
    %swap3A_622 = vector.load %arg6[%swap3A_619, %swap3A_620, %swap3A_621] : memref<4x1x128xi32, #tpu.memory_space<vmem>>, vector<1x1x128xi32>
    %swap3A_623 = vector.shape_cast %swap3A_622 : vector<1x1x128xi32> to vector<1x128xi32>
    %swap3A_624 = vector.shape_cast %broadcast_in_dim3A_618 : vector<1x128xi32> to vector<1x1x128xi32>
    tpu.vector_store %arg6[%swap3A_619, %swap3A_620, %swap3A_621], %swap3A_624 {strides = array<i32>} : memref<4x1x128xi32, #tpu.memory_space<vmem>>, vector<1x1x128xi32>,
    return
  }
}

</mosaic_0001>

<sc_bundles>
// kernel: kernel.5.cloned.1.call-start
scs
__scs_entry_jumppad:
0x0: {  	(pc) =	sbr.rel $0x88, $3  }
0x1: {  	(tag) =	ssettag $0x0;
	lr =	simm.s32 $0x1  }
0x2: {  	[smem:$0x3F9A] =	sst lr;
	_ =	strace $0xD0000000  }
0x3: {  	_ = 	snop  }
0x4: {  	_ = 	snop  }
0x5: {  	_ = 	snop  }
0x6: {  	_ = 	snop  }
0x7: {  	_ = 	snop  }
__scs_overlays_trampoline_lowered:
0x8: {  	[smem:$0x3FA9] =	sst s0  }
0x9: {  	[smem:$0x3FAA] =	sst s1  }
0xa: {  	[smem:$0x3FAB] =	sst s2  }
0xb: {  	[smem:$0x3FAC] =	sst s3  }
0xc: {  	[smem:$0x3FAD] =	sst s4  }
0xd: {  	[smem:$0x3FAE] =	sst s5  }
0xe: {  	[smem:$0x3FAF] =	sst s6  }
0xf: {  	[smem:$0x3FB0] =	sst s7  }
0x10: {  	[smem:$0x3FB1] =	sst s8  }
0x11: {  	[smem:$0x3FB2] =	sst s9;
	s0 =	simm.s32 @!p0 $0x0  }
0x12: {  	s1 =	sld [smem:$0x3F98];
	s0 =	simm.s32 @p0 $0x1  }
0x13: {  	[smem:$0x3FB3] =	sst s0;
	s0 =	simm.s32 @!p1 $0x0  }
0x14: {  	s2 =	sld [smem:$0x3F97];
	s0 =	simm.s32 @p1 $0x1  }
0x15: {  	[smem:$0x3FB4] =	sst s0;
	s0 =	simm.s32 @!p2 $0x0  }
0x16: {  	s3 =	sld [smem:$0x3FDB];
	s0 =	simm.s32 @p2 $0x1  }
0x17: {  	s4 =	simm.s32 $0x1BF5;
	[smem:$0x3FB6] =	sst s0  }
0x18: {  	s0 =	sld [smem:$0x3F99];
	_ =	swait.ge [sflag:s4], $0x0  }
0x19: {  	s7 =	sld [smem:$0x3F9A]  }
0x1a: {  	s8 =	sadd.s32 $0xFFFFE003, lr  }
0x1b: {  	s9 =	sadd.s32 $0xFFFFFEF7, lr;
	s5 =	simm.s32 $0xFFFFFFFF;
	p2 =	slt.u32 s8, $0xFFFFF086  }
0x1c: {  	p1 =	slt.u32 s9, $0xF7A;
	s5 =	simm.s32 @!p2 $0x0  }
0x1d: {  	s5 =	simm.s32 @p1 $0x1;
	p0 =	seq.s32 s7, s2  }
0x1e: {  	s7 =	smul.u32 @!p0 $0xF7A, s2;
	p2 =	seq.s32 @!p0 s5, $0x0  }
0x1f: {  	s9 =	smul.u32 $0xF7A, s1;
	s8 =	simm.s32 @!p0 $0x1BF5;
	p2 =	por !p2, p0  }
0x20: {  	[sflag:s8] =	ssyncset.s32 @!p0 $0xFFFFF086;
	s6 =	sadd.s32 @!p0 s3, s7;
	s7 =	simm.s32 @!p0 $0x108  }
0x21: {  	s3 =	sadd.s32 s3, s9;
	s6 =	sadd.s32 @!p0 $0x88, s6;
	s7 =	simm.s32 @p2 $0x1082  }
0x22: {  	[simem:s7], [sflag:s8] =	dma.local @!p0 [hbm:s6], $0xF7A  }
0x23: {  	s9 =	sor.u32 $0xD0000000, s2;
	s6 =	simm.s32 $0x108;
	_ =	swait.ge @!p0 [sflag:s8], $0x0  }
0x24: {  	s3 =	sadd.s32 $0x88, s3;
	s6 =	simm.s32 @!p1 $0x1082;
	[sflag:s4] =	ssyncset.s32 $0xFFFFF086  }
0x25: {  	[simem:s6], [sflag:s4] =	dma.local [hbm:s3], $0xF7A  }
0x26: {  	[smem:$0x3F9A] =	sst s1;
	(tag) =	ssettag s2;
	_ =	strace s9  }
0x27: {  	s1 =	sld [smem:$0x3FAA]  }
0x28: {  	s2 =	sld [smem:$0x3FAB]  }
0x29: {  	s4 =	sld [smem:$0x3FAD]  }
0x2a: {  	p0 =	seq.s32 s5, $0x0;
	s5 =	sld [smem:$0x3FAE]  }
0x2b: {  	s6 =	sld [smem:$0x3FAF]  }
0x2c: {  	s7 =	sld [smem:$0x3FB0]  }
0x2d: {  	s3 =	simm.s32 $0x108;
	s8 =	sld [smem:$0x3FB1]  }
0x2e: {  	s3 =	simm.s32 @!p0 $0x1082;
	s9 =	sld [smem:$0x3FB2]  }
0x2f: {  	lr =	sadd.s32 s0, s3;
	s0 =	sld [smem:$0x3FA9]  }
0x30: {  	s3 =	sld [smem:$0x3FAC]  }
0x31: {  	[smem:$0x3FB5] =	sst s10  }
0x32: {  	s10 =	sld [smem:$0x3FB3];
	_ =	sdelay $0x3  }
0x33: {  	p0 =	seq.s32 s10, $0x1;
	s10 =	sld [smem:$0x3FB5];
	_ =	sdelay $0x3  }
0x34: {  	[smem:$0x3FB5] =	sst s10  }
0x35: {  	s10 =	sld [smem:$0x3FB4];
	_ =	sdelay $0x3  }
0x36: {  	p1 =	seq.s32 s10, $0x1;
	s10 =	sld [smem:$0x3FB5];
	_ =	sdelay $0x3  }
0x37: {  	[smem:$0x3FB5] =	sst s10  }
0x38: {  	s10 =	sld [smem:$0x3FB6]  }
0x39: {  	_ = 	snop;
	(pc) =	sbr.ind lr, $3  }
0x3a: {  	_ = 	snop  }
0x3b: {  	_ = 	snop  }
0x3c: {  	p2 =	seq.s32 s10, $0x1;
	s10 =	sld [smem:$0x3FB5]  }
0x3d: {  	_ =	shalt  }
0x3e: {  	_ =	shalt  }
0x3f: {  	_ =	shalt  }
0x40: {  	_ =	shalt  }
0x41: {  	_ =	shalt  }
0x42: {  	_ =	shalt  }
0x43: {  	_ =	shalt  }
0x44: {  	_ =	shalt  }
0x45: {  	_ =	shalt  }
0x46: {  	_ =	shalt  }
0x47: {  	_ =	shalt  }
0x48: {  	_ =	shalt  }
0x49: {  	_ =	shalt  }
0x4a: {  	_ =	shalt  }
0x4b: {  	_ =	shalt  }
0x4c: {  	_ =	shalt  }
0x4d: {  	_ =	shalt  }
0x4e: {  	_ =	shalt  }
0x4f: {  	_ =	shalt  }
0x50: {  	_ =	shalt  }
0x51: {  	_ =	shalt  }
0x52: {  	_ =	shalt  }
0x53: {  	_ =	shalt  }
0x54: {  	_ =	shalt  }
0x55: {  	_ =	shalt  }
0x56: {  	_ =	shalt  }
0x57: {  	_ =	shalt  }
0x58: {  	_ =	shalt  }
0x59: {  	_ =	shalt  }
0x5a: {  	_ =	shalt  }
0x5b: {  	_ =	shalt  }
0x5c: {  	_ =	shalt  }
0x5d: {  	_ =	shalt  }
0x5e: {  	_ =	shalt  }
0x5f: {  	_ =	shalt  }
0x60: {  	_ =	shalt  }
0x61: {  	_ =	shalt  }
0x62: {  	_ =	shalt  }
0x63: {  	_ =	shalt  }
0x64: {  	_ =	shalt  }
0x65: {  	_ =	shalt  }
0x66: {  	_ =	shalt  }
0x67: {  	_ =	shalt  }
0x68: {  	_ =	shalt  }
0x69: {  	_ =	shalt  }
0x6a: {  	_ =	shalt  }
0x6b: {  	_ =	shalt  }
0x6c: {  	_ =	shalt  }
0x6d: {  	_ =	shalt  }
0x6e: {  	_ =	shalt  }
0x6f: {  	_ =	shalt  }
0x70: {  	_ =	shalt  }
0x71: {  	_ =	shalt  }
0x72: {  	_ =	shalt  }
0x73: {  	_ =	shalt  }
0x74: {  	_ =	shalt  }
0x75: {  	_ =	shalt  }
0x76: {  	_ =	shalt  }
0x77: {  	_ =	shalt  }
0x78: {  	_ =	shalt  }
0x79: {  	_ =	shalt  }
0x7a: {  	_ =	shalt  }
0x7b: {  	_ =	shalt  }
0x7c: {  	_ =	shalt  }
0x7d: {  	_ =	shalt  }
0x7e: {  	_ =	shalt  }
0x7f: {  	_ =	shalt  }
0x80: {  	_ =	shalt  }
0x81: {  	_ =	shalt  }
0x82: {  	_ =	shalt  }
0x83: {  	_ =	shalt  }
0x84: {  	_ =	shalt  }
0x85: {  	_ =	shalt  }
0x86: {  	_ =	shalt  }
0x87: {  	_ =	shalt  }
.Lfunc_end0:
.L_simem_size_0:
called_computation_lowered:
.L_overlay_start_0:
0x88: {  	s2 =	sld [smem:$0x3FD9]  }
0x89: {  	s3 =	sld [smem:$0x3FFE];
	_ =	sdelay $0x1  }
0x8a: {  	s1 =	srdreg.scid  }
0x8b: {  	s0 =	sand.u32 $0x1, s1  }
0x8c: {  	s17 =	sshll.u32 s0, $0xA;
	s2 =	sadd.s32 s3, s2  }
0x8d: {  	s2 =	sadd.s32 s2, s17  }
0x8e: {  	[smem:$0x3FC1] =	sst s2  }
0x8f: {  	_ = 	snop  }
0x90: {  	s2 =	sld [smem:$0x3FC3]  }
0x91: {  	s18 =	sld [smem:$0x3FD0];
	(tm) =	ssettm $0x1  }
0x92: {  	s4 =	sld [smem:$0x3FFB];
	_ =	sdelay $0x3  }
0x93: {  	_ =	strace s4  }
0x94: {  	s4 =	sld [smem:$0x3FFC];
	_ =	sdelay $0x3  }
0x95: {  	_ =	strace s4  }
0x96: {  	s4 =	sld [smem:$0x3FFD];
	_ =	sdelay $0x3  }
0x97: {  	_ =	strace s4  }
0x98: {  	_ =	strace $0x8FFFFFFF  }
0x99: {  	s19 =	sld [smem:$0x3FDB];
	_ =	sdelay $0x1  }
0x9a: {  	s5 =	simm.s32 $_scs_section_size  }
0x9b: {  	s6 =	simm.s32 $_size__tile_overlayer_lowered;
	s7 =	simm.s32 $_tile_overlayer_lowered  }
0x9c: {  	s22 =	simm.s32 $0x1BFF;
	s21 =	sshll.u32 s7, $0x1;
	s4 =	sadd.s32 s5, s19  }
0x9d: {  	s8 =	simm.s32 $0x0;
	s20 =	sshll.u32 s6, $0x1;
	s6 =	sadd.s32 s21, s4  }
0x9e: {  	[timem:s8], [sflag:s22] =	dma.local [hbm:s6], s20  }
0x9f: {  	_ =	swait.ge [sflag:s22], s20  }
0xa0: {  	s5 =	ssub.s32 $0x0, s20;
	[sflag:s22] =	ssyncset.done $0x0  }
0xa1: {  	[sflag:s22] =	ssyncadd.s32 s5;
	_ =	sdelay $0x1  }
0xa2: {  	s23 =	simm.s32 $0x1B8B  }
0xa3: {  	_ =	swait.ge [sflag:s23], $0x1  }
0xa4: {  	[sflag:s23] =	ssyncset.done $0x0  }
0xa5: {  	s25 =	simm.s32 $0x1B8E;
	s24 =	sld [smem:$0x3FFE];
	[sflag:s23] =	ssyncadd.s32 $0xFFFFFFFF  }
0xa6: {  	s26 =	simm.s32 $execute0_lowered;
	[smem:$0x3FD2] =	sst s25  }
0xa7: {  	s6 =	sshll.u32 s26, $0x1;
	_ =	strace $0x80000046;
	[dreg:$0x1] =	wrdreg $0xFFFFFFFF  }
0xa8: {  	s28 =	simm.s32 $_size_execute0_lowered;
	s4 =	sadd.s32 s4, s6;
	[dreg:$0x0] =	wrdreg $0x0  }
0xa9: {  	s6 =	sshll.u32 s28, $0x1;
	[dreg:$0x2] =	wrdreg s4  }
0xaa: {  	[dreg:$0x3] =	wrdreg s6  }
0xab: {  	[dreg:$0x4] =	wrdreg $0xC0  }
0xac: {  	_ =	task [dreg:s8], $0x5FFFF  }
0xad: {  	[dreg:$0x1] =	wrdreg $0xFFFFFFFF  }
0xae: {  	[dreg:$0x0] =	wrdreg $0x60  }
0xaf: {  	[dreg:$0x2] =	wrdreg s2  }
0xb0: {  	[dreg:$0x3] =	wrdreg s24  }
0xb1: {  	[dreg:$0x4] =	wrdreg s18  }
0xb2: {  	[dreg:$0x5] =	wrdreg $0x9  }
0xb3: {  	_ =	task.clear_ibuf [dreg:s8], $0x6FFFF;
	_ =	strace $0x90000046  }
0xb4: {  	s29 =	simm.s32 $0x9;
	_ =	strace $0x80000048  }
0xb5: {  	_ =	swait.ge [sflag:s29], $0x1  }
0xb6: {  	[sflag:s29] =	ssyncadd.s32 $0xFFFFFFFF  }
0xb7: {  	_ =	strace $0x90000048  }
0xb8: {  	_ =	sfence  }
0xb9: {  	s30 =	sld [smem:$0x0];
	_ =	sdelay $0x2  }
0xba: {  	s31 =	sshll.u32 s1, $0xD;
	s1 =	sshrl.u32 s1, $0x2  }
0xbb: {  	s3 =	sand.u32 $0x4000, s31;
	s1 =	sadd.s32 s1, s30  }
0xbc: {  	s0 =	sor.u32 s3, s0;
	s1 =	sshll.u32 s1, $0x11  }
0xbd: {  	s0 =	sor.u32 s1, s0  }
0xbe: {  	s0 =	sadd.s32 $0x8F2B, s0  }
0xbf: {  	[sflag:s0] =	ssyncadd.remote.s32 $0x1  }
0xc0: {  	_ =	sfence.sel $0xFFFF  }
0xc1: {  	[dreg:$0x0] =	wrdreg $0xFFFFFFFF;
	(pc) =	sbr.abs _section_cstart, $3  }
0xc2: {  	[dreg:$0x1] =	wrdreg $0xFFFFFFFF  }
0xc3: {  	_ =	task.clear_ibuf [dreg:s8], $0x2FFFF;
	_ =	strace $0x9FFFFFFF  }
0xc4: {  	(tm) =	ssettm $0x7FFFFFFF  }
0xc5: {  	_ =	shalt  }
tec
execute0_lowered:
.L_overlay_start_1:
0x0: {  	(tag) =	ssettag $0x1  }
0x1: {  	s3 =	rddreg [dreg:$0x0];
	s1 =	srdreg.scid  }
0x2: {  	s4 =	rddreg [dreg:$0x1];
	s0 =	stileid.u32  }
0x3: {  	s5 =	rddreg [dreg:$0x2];
	s21 =	simm.s32 $0x880;
	s22 =	simm.s32 $0x1080  }
0x4: {  	s23 =	simm.s32 $0x1880;
	s24 =	simm.s32 $0x2080;
	s20 =	simm.s32 $0x2880  }
0x5: {  	s14 =	simm.s32 $0x3080;
	s15 =	simm.s32 $0x3880;
	s16 =	simm.s32 $0x4080  }
0x6: {  	s17 =	simm.s32 $0x4880;
	s18 =	simm.s32 $0x5080;
	s19 =	simm.s32 $0x5880  }
0x7: {  	p0 =	por $0x0, $0x0;
	s28 =	simm.s32 $0x7080;
	s30 =	simm.s32 $0x7880  }
0x8: {  	s29 =	simm.s32 $0x1;
	s1 =	sand.u32 $0x1, s1;
	s2 =	sshll.u32 s0, $0x5  }
0x9: {  	s7 =	sadd.s32 $0x200, s3;
	s6 =	sshll.u32 s1, $0x4;
	s1 =	ssub.s32 $0x2, s1  }
0xa: {  	s8 =	sadd.s32 $0x300, s3;
	s9 =	sadd.s32 $0x400, s3;
	s25 =	sshrl.u32 s1, $0x1  }
0xb: {  	s10 =	sadd.s32 $0x500, s3;
	s11 =	sadd.s32 $0x600, s3;
	s1 =	ssub.s32 s1, s25  }
0xc: {  	s12 =	sadd.s32 $0x700, s3;
	s13 =	sor.u32 s6, s2;
	s1 =	smax.u32 s1, $0x1  }
0xd: {  	s2 =	simm.s32 $0x0;
	s6 =	sshrl.u32 s13, $0x3;
	p1 =	sne.s32 s1, $0x1  }
.Ltmp0:
0xe: {  	[smem:$0x7FF] =	sst s2;
	s26 =	sshll.u32 s13, $0x8;
	(pc) =	sbr.rel @!p1 .LBB2_3-.Ltmp0, $4  }
0xf: {  	s13 =	simm.s32 $0x80;
	s25 =	simm.s32 $0x6080;
	s4 =	sadd.s32 s6, s4  }
0x10: {  	v2 =	vlaneseq.u32;
	_ =	strace $0x80000047;
	s6 =	sadd.s32 $0x100, s3;
	s4 =	sadd.s32 $0x1400, s4  }
0x11: {  	vm0 =	vmmov $0xffff;
	v0 =	vshrl.u32 v2, $0x3;
	s5 =	sadd.s32 s5, s26;
	s26 =	simm.s32 $0x6880;
	[dreg:$0x4] =	wrdreg s4  }
0x12: {  	v1 =	vand.u32 $0x7, v2;
	v2 =	vor.u32 $0x8, v2;
	v0 =	vmul.u32 $0x8, v0;
	s31 =	sadd.s32 $0xFFFFFFFF, s1;
	s4 =	simm.s32 $0x2;
	s1 =	rddreg [dreg:$0x4]  }
0x13: {  	[tilespmem:s2], [sflag:$0x2] =	stream.linear.gather [hbm4b:s1+s2], $0x10, $0x38;
	[tilespmem:$0x8080] =	vst v63  }
0x14: {  	_ =	swait.ge [sflag:s4], $0x10  }
0x15: {  	[sflag:s4] =	ssyncset.done $0x0  }
0x16: {  	[sflag:s4] =	ssyncadd.s32 $0xFFFFFFF0  }
0x17: {  	v3 =	vld [tilespmem:$0x0];
	_ =	sdelay $0x4  }
0x18: {  	v4 =	vshll.u32 v3, $0x4  }
0x19: {  	v3 =	vand.u32 $0x7, v3;
	v4 =	vand.u32 $0xFFFFFF80, v4  }
0x1a: {  	v3 =	vor.u32 v3, v4  }
0x1b: {  	v4 =	vperm.xlane v3, v1;
	_ =	sdelay $0x1  }
0x1c: {  	v4 =	vadd.s32 v0, v4;
	_ =	sdelay $0x4  }
0x1d: {  	[tilespmem:s13], [sflag:$0x1] =	stream.indirect_vreg.gather [hbm4b:s3+s2], $0x80, v4, vm0, $0xb8;
	[tilespmem:$0x8080] =	vst v63  }
0x1e: {  	_ = 	snop  }
0x1f: {  	[tilespmem:s21], [sflag:$0x1] =	stream.indirect_vreg.gather [hbm4b:s6+s2], $0x80, v4, vm0, $0xb8;
	[tilespmem:$0x8080] =	vst v63  }
0x20: {  	_ = 	snop  }
0x21: {  	[tilespmem:s22], [sflag:$0x1] =	stream.indirect_vreg.gather [hbm4b:s7+s2], $0x80, v4, vm0, $0xb8;
	[tilespmem:$0x8080] =	vst v63  }
0x22: {  	_ = 	snop  }
0x23: {  	[tilespmem:s23], [sflag:$0x1] =	stream.indirect_vreg.gather [hbm4b:s8+s2], $0x80, v4, vm0, $0xb8;
	[tilespmem:$0x8080] =	vst v63  }
0x24: {  	_ = 	snop  }
0x25: {  	[tilespmem:s24], [sflag:$0x1] =	stream.indirect_vreg.gather [hbm4b:s9+s2], $0x80, v4, vm0, $0xb8;
	[tilespmem:$0x8080] =	vst v63  }
0x26: {  	v3 =	vperm.xlane v3, v2  }
0x27: {  	[tilespmem:s20], [sflag:$0x1] =	stream.indirect_vreg.gather [hbm4b:s10+s2], $0x80, v4, vm0, $0xb8;
	[tilespmem:$0x8080] =	vst v63  }
0x28: {  	v3 =	vadd.s32 v0, v3  }
0x29: {  	[tilespmem:s14], [sflag:$0x1] =	stream.indirect_vreg.gather [hbm4b:s11+s2], $0x80, v4, vm0, $0xb8;
	[tilespmem:$0x8080] =	vst v63  }
0x2a: {  	_ = 	snop  }
0x2b: {  	[tilespmem:s15], [sflag:$0x1] =	stream.indirect_vreg.gather [hbm4b:s12+s2], $0x80, v4, vm0, $0xb8;
	[tilespmem:$0x8080] =	vst v63  }
0x2c: {  	_ = 	snop  }
0x2d: {  	[tilespmem:s16], [sflag:$0x1] =	stream.indirect_vreg.gather [hbm4b:s3+s2], $0x80, v3, vm0, $0xb8;
	[tilespmem:$0x8080] =	vst v63  }
0x2e: {  	_ = 	snop  }
0x2f: {  	[tilespmem:s17], [sflag:$0x1] =	stream.indirect_vreg.gather [hbm4b:s6+s2], $0x80, v3, vm0, $0xb8;
	[tilespmem:$0x8080] =	vst v63  }
0x30: {  	_ = 	snop  }
0x31: {  	[tilespmem:s18], [sflag:$0x1] =	stream.indirect_vreg.gather [hbm4b:s7+s2], $0x80, v3, vm0, $0xb8;
	[tilespmem:$0x8080] =	vst v63  }
0x32: {  	_ = 	snop  }
0x33: {  	[tilespmem:s19], [sflag:$0x1] =	stream.indirect_vreg.gather [hbm4b:s8+s2], $0x80, v3, vm0, $0xb8;
	[tilespmem:$0x8080] =	vst v63  }
0x34: {  	_ = 	snop  }
0x35: {  	[tilespmem:s25], [sflag:$0x1] =	stream.indirect_vreg.gather [hbm4b:s9+s2], $0x80, v3, vm0, $0xb8;
	[tilespmem:$0x8080] =	vst v63  }
0x36: {  	_ = 	snop  }
0x37: {  	[tilespmem:s26], [sflag:$0x1] =	stream.indirect_vreg.gather [hbm4b:s10+s2], $0x80, v3, vm0, $0xb8;
	[tilespmem:$0x8080] =	vst v63  }
0x38: {  	_ = 	snop  }
0x39: {  	[tilespmem:s28], [sflag:$0x1] =	stream.indirect_vreg.gather [hbm4b:s11+s2], $0x80, v3, vm0, $0xb8;
	[tilespmem:$0x8080] =	vst v63  }
0x3a: {  	_ = 	snop  }
0x3b: {  	[tilespmem:s30], [sflag:$0x1] =	stream.indirect_vreg.gather [hbm4b:s12+s2], $0x80, v3, vm0, $0xb8;
	[tilespmem:$0x8080] =	vst v63  }
0x3c: {  	p1 =	sne.s32 s31, $0x1;
	_ =	swait.ge [sflag:s29], $0x8000  }
.Ltmp1:
0x3d: {  	[sflag:s29] =	ssyncset.done $0x0;
	(pc) =	sbr.rel @!p1 .LBB2_3-.Ltmp1, $4  }
0x3e: {  	[sflag:s29] =	ssyncadd.s32 $0xFFFF8000  }
0x3f: {  	[hbm4b:s5+s2] =	stream.linear.scatter [tilespmem:s13], [sflag:$0x2], $0x8000, $0x38;
	[tilespmem:$0x8080] =	vst v63  }
0x40: {  	s31 =	sadd.s32 $0xFFFFFFFF, s31;
	_ =	swait.ge [sflag:s4], $0x8000  }
0x41: {  	p0 =	por $0x1, $0x1;
	s1 =	rddreg [dreg:$0x4];
	[sflag:s4] =	ssyncset.done $0x0  }
.LBB2_2:
0x42: {  	[sflag:s4] =	ssyncadd.s32 $0xFFFF8000  }
0x43: {  	[tilespmem:s2], [sflag:$0x2] =	stream.linear.gather [hbm4b:s1+s2], $0x10, $0x38;
	[tilespmem:$0x8080] =	vst v63  }
0x44: {  	_ =	swait.ge [sflag:s4], $0x10  }
0x45: {  	[sflag:s4] =	ssyncset.done $0x0  }
0x46: {  	[sflag:s4] =	ssyncadd.s32 $0xFFFFFFF0  }
0x47: {  	v3 =	vld [tilespmem:$0x0];
	_ =	sdelay $0x4  }
0x48: {  	v4 =	vshll.u32 v3, $0x4  }
0x49: {  	v3 =	vand.u32 $0x7, v3;
	v4 =	vand.u32 $0xFFFFFF80, v4  }
0x4a: {  	v3 =	vor.u32 v3, v4  }
0x4b: {  	v4 =	vperm.xlane v3, v1;
	_ =	sdelay $0x1  }
0x4c: {  	v4 =	vadd.s32 v0, v4;
	_ =	sdelay $0x4  }
0x4d: {  	[tilespmem:s13], [sflag:$0x1] =	stream.indirect_vreg.gather [hbm4b:s3+s2], $0x80, v4, vm0, $0xb8;
	[tilespmem:$0x8080] =	vst v63  }
0x4e: {  	_ = 	snop  }
0x4f: {  	[tilespmem:s21], [sflag:$0x1] =	stream.indirect_vreg.gather [hbm4b:s6+s2], $0x80, v4, vm0, $0xb8;
	[tilespmem:$0x8080] =	vst v63  }
0x50: {  	_ = 	snop  }
0x51: {  	[tilespmem:s22], [sflag:$0x1] =	stream.indirect_vreg.gather [hbm4b:s7+s2], $0x80, v4, vm0, $0xb8;
	[tilespmem:$0x8080] =	vst v63  }
0x52: {  	_ = 	snop  }
0x53: {  	[tilespmem:s23], [sflag:$0x1] =	stream.indirect_vreg.gather [hbm4b:s8+s2], $0x80, v4, vm0, $0xb8;
	[tilespmem:$0x8080] =	vst v63  }
0x54: {  	_ = 	snop  }
0x55: {  	[tilespmem:s24], [sflag:$0x1] =	stream.indirect_vreg.gather [hbm4b:s9+s2], $0x80, v4, vm0, $0xb8;
	[tilespmem:$0x8080] =	vst v63  }
0x56: {  	v3 =	vperm.xlane v3, v2  }
0x57: {  	[tilespmem:s20], [sflag:$0x1] =	stream.indirect_vreg.gather [hbm4b:s10+s2], $0x80, v4, vm0, $0xb8;
	[tilespmem:$0x8080] =	vst v63  }
0x58: {  	v3 =	vadd.s32 v0, v3  }
0x59: {  	[tilespmem:s14], [sflag:$0x1] =	stream.indirect_vreg.gather [hbm4b:s11+s2], $0x80, v4, vm0, $0xb8;
	[tilespmem:$0x8080] =	vst v63  }
0x5a: {  	_ = 	snop  }
0x5b: {  	[tilespmem:s15], [sflag:$0x1] =	stream.indirect_vreg.gather [hbm4b:s12+s2], $0x80, v4, vm0, $0xb8;
	[tilespmem:$0x8080] =	vst v63  }
0x5c: {  	_ = 	snop  }
0x5d: {  	[tilespmem:s16], [sflag:$0x1] =	stream.indirect_vreg.gather [hbm4b:s3+s2], $0x80, v3, vm0, $0xb8;
	[tilespmem:$0x8080] =	vst v63  }
0x5e: {  	_ = 	snop  }
0x5f: {  	[tilespmem:s17], [sflag:$0x1] =	stream.indirect_vreg.gather [hbm4b:s6+s2], $0x80, v3, vm0, $0xb8;
	[tilespmem:$0x8080] =	vst v63  }
0x60: {  	_ = 	snop  }
0x61: {  	[tilespmem:s18], [sflag:$0x1] =	stream.indirect_vreg.gather [hbm4b:s7+s2], $0x80, v3, vm0, $0xb8;
	[tilespmem:$0x8080] =	vst v63  }
0x62: {  	_ = 	snop  }
0x63: {  	[tilespmem:s19], [sflag:$0x1] =	stream.indirect_vreg.gather [hbm4b:s8+s2], $0x80, v3, vm0, $0xb8;
	[tilespmem:$0x8080] =	vst v63  }
0x64: {  	_ = 	snop  }
0x65: {  	[tilespmem:s25], [sflag:$0x1] =	stream.indirect_vreg.gather [hbm4b:s9+s2], $0x80, v3, vm0, $0xb8;
	[tilespmem:$0x8080] =	vst v63  }
0x66: {  	_ = 	snop  }
0x67: {  	[tilespmem:s26], [sflag:$0x1] =	stream.indirect_vreg.gather [hbm4b:s10+s2], $0x80, v3, vm0, $0xb8;
	[tilespmem:$0x8080] =	vst v63  }
0x68: {  	_ = 	snop  }
0x69: {  	[tilespmem:s28], [sflag:$0x1] =	stream.indirect_vreg.gather [hbm4b:s11+s2], $0x80, v3, vm0, $0xb8;
	[tilespmem:$0x8080] =	vst v63  }
0x6a: {  	_ = 	snop  }
0x6b: {  	[tilespmem:s30], [sflag:$0x1] =	stream.indirect_vreg.gather [hbm4b:s12+s2], $0x80, v3, vm0, $0xb8;
	[tilespmem:$0x8080] =	vst v63  }
0x6c: {  	p1 =	sne.s32 s31, $0x1;
	_ =	swait.ge [sflag:s29], $0x8000  }
.Ltmp2:
0x6d: {  	[sflag:s29] =	ssyncset.done $0x0;
	(pc) =	sbr.rel @p1 .LBB2_2-.Ltmp2, $4  }
0x6e: {  	[sflag:s29] =	ssyncadd.s32 $0xFFFF8000  }
0x6f: {  	[hbm4b:s5+s2] =	stream.linear.scatter [tilespmem:s13], [sflag:$0x2], $0x8000, $0x38;
	[tilespmem:$0x8080] =	vst v63  }
0x70: {  	_ =	swait.ge [sflag:s4], $0x8000  }
0x71: {  	s31 =	sadd.s32 $0xFFFFFFFF, s31;
	s1 =	rddreg [dreg:$0x4];
	[sflag:s4] =	ssyncset.done $0x0  }
.LBB2_3:
0x72: {  	[sflag:s4] =	ssyncadd.s32 @p0 $0xFFFF8000  }
0x73: {  	[tilespmem:s2], [sflag:$0x2] =	stream.linear.gather [hbm4b:s1+s2], $0x10, $0x38;
	[tilespmem:$0x8080] =	vst v63  }
0x74: {  	_ =	swait.ge [sflag:s4], $0x10  }
0x75: {  	[sflag:s4] =	ssyncset.done $0x0  }
0x76: {  	[sflag:s4] =	ssyncadd.s32 $0xFFFFFFF0  }
0x77: {  	v3 =	vld [tilespmem:$0x0];
	_ =	sdelay $0x4  }
0x78: {  	v4 =	vshll.u32 v3, $0x4  }
0x79: {  	v3 =	vand.u32 $0x7, v3;
	v4 =	vand.u32 $0xFFFFFF80, v4  }
0x7a: {  	v3 =	vor.u32 v3, v4  }
0x7b: {  	v1 =	vperm.xlane v3, v1;
	_ =	sdelay $0x1  }
0x7c: {  	v1 =	vadd.s32 v0, v1;
	_ =	sdelay $0x4  }
0x7d: {  	[tilespmem:s13], [sflag:$0x1] =	stream.indirect_vreg.gather [hbm4b:s3+s2], $0x80, v1, vm0, $0xb8;
	[tilespmem:$0x8080] =	vst v63  }
0x7e: {  	_ = 	snop  }
0x7f: {  	[tilespmem:s21], [sflag:$0x1] =	stream.indirect_vreg.gather [hbm4b:s6+s2], $0x80, v1, vm0, $0xb8;
	[tilespmem:$0x8080] =	vst v63  }
0x80: {  	_ = 	snop  }
0x81: {  	[tilespmem:s22], [sflag:$0x1] =	stream.indirect_vreg.gather [hbm4b:s7+s2], $0x80, v1, vm0, $0xb8;
	[tilespmem:$0x8080] =	vst v63  }
0x82: {  	_ = 	snop  }
0x83: {  	[tilespmem:s23], [sflag:$0x1] =	stream.indirect_vreg.gather [hbm4b:s8+s2], $0x80, v1, vm0, $0xb8;
	[tilespmem:$0x8080] =	vst v63  }
0x84: {  	_ = 	snop  }
0x85: {  	[tilespmem:s24], [sflag:$0x1] =	stream.indirect_vreg.gather [hbm4b:s9+s2], $0x80, v1, vm0, $0xb8;
	[tilespmem:$0x8080] =	vst v63  }
0x86: {  	v2 =	vperm.xlane v3, v2  }
0x87: {  	[tilespmem:s20], [sflag:$0x1] =	stream.indirect_vreg.gather [hbm4b:s10+s2], $0x80, v1, vm0, $0xb8;
	[tilespmem:$0x8080] =	vst v63  }
0x88: {  	v63 =	vadd.s32 v0, v2  }
0x89: {  	[tilespmem:s14], [sflag:$0x1] =	stream.indirect_vreg.gather [hbm4b:s11+s2], $0x80, v1, vm0, $0xb8;
	[tilespmem:$0x8080] =	vst v63  }
0x8a: {  	_ = 	snop  }
0x8b: {  	[tilespmem:s15], [sflag:$0x1] =	stream.indirect_vreg.gather [hbm4b:s12+s2], $0x80, v1, vm0, $0xb8;
	[tilespmem:$0x8080] =	vst v63  }
0x8c: {  	_ = 	snop  }
0x8d: {  	[tilespmem:s16], [sflag:$0x1] =	stream.indirect_vreg.gather [hbm4b:s3+s2], $0x80, v63, vm0, $0xb8;
	[tilespmem:$0x8080] =	vst v63  }
0x8e: {  	_ = 	snop  }
0x8f: {  	[tilespmem:s17], [sflag:$0x1] =	stream.indirect_vreg.gather [hbm4b:s6+s2], $0x80, v63, vm0, $0xb8;
	[tilespmem:$0x8080] =	vst v63  }
0x90: {  	_ = 	snop  }
0x91: {  	[tilespmem:s18], [sflag:$0x1] =	stream.indirect_vreg.gather [hbm4b:s7+s2], $0x80, v63, vm0, $0xb8;
	[tilespmem:$0x8080] =	vst v63  }
0x92: {  	_ = 	snop  }
0x93: {  	[tilespmem:s19], [sflag:$0x1] =	stream.indirect_vreg.gather [hbm4b:s8+s2], $0x80, v63, vm0, $0xb8;
	[tilespmem:$0x8080] =	vst v63  }
0x94: {  	_ = 	snop  }
0x95: {  	[tilespmem:s25], [sflag:$0x1] =	stream.indirect_vreg.gather [hbm4b:s9+s2], $0x80, v63, vm0, $0xb8;
	[tilespmem:$0x8080] =	vst v63  }
0x96: {  	_ = 	snop  }
0x97: {  	[tilespmem:s26], [sflag:$0x1] =	stream.indirect_vreg.gather [hbm4b:s10+s2], $0x80, v63, vm0, $0xb8;
	[tilespmem:$0x8080] =	vst v63  }
0x98: {  	_ = 	snop  }
0x99: {  	[tilespmem:s28], [sflag:$0x1] =	stream.indirect_vreg.gather [hbm4b:s11+s2], $0x80, v63, vm0, $0xb8;
	[tilespmem:$0x8080] =	vst v63  }
0x9a: {  	_ = 	snop  }
0x9b: {  	[tilespmem:s30], [sflag:$0x1] =	stream.indirect_vreg.gather [hbm4b:s12+s2], $0x80, v63, vm0, $0xb8;
	[tilespmem:$0x8080] =	vst v63  }
0x9c: {  	_ =	swait.ge [sflag:s29], $0x8000  }
0x9d: {  	[sflag:s29] =	ssyncset.done $0x0  }
0x9e: {  	[sflag:s29] =	ssyncadd.s32 $0xFFFF8000  }
0x9f: {  	[hbm4b:s5+s2] =	stream.linear.scatter [tilespmem:s13], [sflag:$0x2], $0x8000, $0x38;
	[tilespmem:$0x8080] =	vst v63  }
0xa0: {  	_ =	swait.ge [sflag:s4], $0x8000  }
0xa1: {  	[sflag:s4] =	ssyncset.done $0x0  }
0xa2: {  	[sflag:s4] =	ssyncadd.s32 $0xFFFF8000  }
0xa3: {  	_ =	sfence.sel $0x180000  }
0xa4: {  	[bflag:$0x0] =	sbarrier.arrive $0xFFFF  }
0xa5: {  	_ =	strace $0x90000047  }
0xa6: {  	[bflag:$0x2] =	sbarrier.arrive $0xFFFF  }
0xa7: {  	p0 =	sne.s32 s0, $0x0;
	s0 =	rddreg [dreg:$0x3]  }
0xa8: {  	s0 =	sadd.s32 @!p0 $0x100000, s0  }
0xa9: {  	[sflag:s0] =	ssyncadd.tile.s32 @!p0 $0x1;
	_ =	shalt  }
.Lfunc_end2:
_tile_overlayer_lowered:
.L_overlay_start_2:
0xaa: {  	(tag) =	ssettag $0x2  }
0xab: {  	s0 =	rddreg [dreg:$0x0];
	s2 =	stileid.u32  }
0xac: {  	s1 =	rddreg [dreg:$0x1];
	p0 =	sne.s32 s2, $0x0  }
0xad: {  	s3 =	rddreg [dreg:$0x2];
	[bflag:$0x3] =	sbarrier.arrive $0xFFFF;
	s2 =	simm.s32 @!p0 $0x1C02  }
0xae: {  	[timem:s3], [sflag:s2] =	dma.local @!p0 [hbm:s0], s1  }
0xaf: {  	s0 =	simm.s32 @!p0 $0x2  }
0xb0: {  	_ =	swait.ge @!p0 [sflag:s0], s1  }
0xb1: {  	s1 =	ssub.s32 @!p0 $0x0, s1;
	[sflag:s0] =	ssyncset.done @!p0 $0x0  }
0xb2: {  	[sflag:s0] =	ssyncadd.s32 @!p0 s1  }
0xb3: {  	[bflag:$0x3] =	sbarrier.arrive $0xFFFF  }
0xb4: {  	_ =	shalt  }

</sc_bundles>
